<compile_context>
chip_gen: v7x
topology: tpu7x:2x2x1
jax: 0.10.2.dev20260603
libtpu: 0.0.44.dev20260713+nightly
codegen_flags: <defaults>
</compile_context>

<pallas_src>
import dataclasses
import functools

import jax
import jax.numpy as jnp
from jax import lax
from jax.experimental import pallas as pl
from jax.experimental.pallas import tpu as pltpu
from jax.experimental.pallas import tpu_sc as plsc

E = 64
K = 2
D = 768
H = 768
T = 2048
BLK = 128
NBLK = 96
GW = 128


def _sc_params():
    cp = pltpu.CompilerParams()
    if "needs_layout_passes" in pltpu.CompilerParams.__dataclass_fields__:
        cp = dataclasses.replace(cp, needs_layout_passes=False)
    return cp


def _gate_body(z_ref, wg_ref, bg_ref, pos0_ref, pos1_ref, w0_ref, w1_ref,
               eob_ref, tot_ref):
    z = z_ref[...]
    logits = lax.dot_general(z, wg_ref[...], (((1,), (1,)), ((), ())),
                             preferred_element_type=jnp.float32)
    logits = logits + bg_ref[...]
    m = jnp.max(logits, axis=1, keepdims=True)
    ex = jnp.exp(logits - m)
    w = ex / jnp.sum(ex, axis=1, keepdims=True)
    iota = lax.broadcasted_iota(jnp.int32, w.shape, 1)
    m1 = jnp.max(w, axis=1, keepdims=True)
    a1 = jnp.min(jnp.where(w == m1, iota, E), axis=1, keepdims=True)
    wm = jnp.where(iota == a1, -jnp.inf, w)
    m2 = jnp.max(wm, axis=1, keepdims=True)
    a2 = jnp.min(jnp.where(wm == m2, iota, E), axis=1, keepdims=True)
    oh1 = (iota == a1).astype(jnp.float32)
    oh2 = (iota == a2).astype(jnp.float32)
    inc = oh1 + oh2
    r = lax.broadcasted_iota(jnp.int32, (T, T), 0)
    c = lax.broadcasted_iota(jnp.int32, (T, T), 1)
    tri = (r > c).astype(jnp.float32)
    eye = (r == c).astype(jnp.float32)
    excl = lax.dot_general(tri, inc, (((1,), (0,)), ((), ())),
                           preferred_element_type=jnp.float32)
    q1 = jnp.floor(jnp.sum(excl * oh1, axis=1, keepdims=True) + 0.5)
    q2 = jnp.floor(jnp.sum(excl * oh2, axis=1, keepdims=True) + 0.5)
    ones_col = jnp.ones((T, 1), jnp.float32)
    counts = jnp.floor(
        lax.dot_general(inc, ones_col, (((0,), (0,)), ((), ())),
                        preferred_element_type=jnp.float32) + 0.5)
    nb = ((counts.astype(jnp.int32) + (BLK - 1)) >> 7).astype(jnp.float32)
    r64 = lax.broadcasted_iota(jnp.int32, (E, E), 0)
    c64 = lax.broadcasted_iota(jnp.int32, (E, E), 1)
    tri64 = (r64 >= c64).astype(jnp.float32)
    cnb = jnp.floor(
        lax.dot_general(tri64, nb, (((1,), (0,)), ((), ())),
                        preferred_element_type=jnp.float32) + 0.5)
    bs = cnb - nb
    tot = cnb[E - 1:E, 0:1]
    j96 = lax.broadcasted_iota(jnp.int32, (1, NBLK), 1).astype(jnp.float32)
    eobs = jnp.sum((cnb <= j96).astype(jnp.float32), axis=0, keepdims=True)
    e_col = lax.broadcasted_iota(jnp.int32, (E, 1), 0).astype(jnp.float32)
    last_e = jnp.max(jnp.where(counts > 0, e_col, -1.0), axis=0, keepdims=True)
    eob_ref[...] = jnp.where(j96 < tot, eobs, last_e).astype(jnp.int32)
    tot_ref[...] = jnp.broadcast_to(tot, (1, 16)).astype(jnp.int32)
    rows4 = lax.dot_general(
        jnp.concatenate([q1, q2, m1, m2], axis=1), eye,
        (((0,), (0,)), ((), ())),
        preferred_element_type=jnp.float32,
        precision=lax.Precision.HIGHEST)
    bs0 = lax.dot_general(bs, oh1, (((0,), (1,)), ((), ())),
                          preferred_element_type=jnp.float32,
                          precision=lax.Precision.HIGHEST)
    bs1 = lax.dot_general(bs, oh2, (((0,), (1,)), ((), ())),
                          preferred_element_type=jnp.float32,
                          precision=lax.Precision.HIGHEST)
    pp0 = (bs0 * BLK + rows4[0:1, :] + 0.5).astype(jnp.int32)
    pp1 = (bs1 * BLK + rows4[1:2, :] + 0.5).astype(jnp.int32)
    pos0_ref[...] = pp0.reshape(T)
    pos1_ref[...] = pp1.reshape(T)
    w0_ref[...] = rows4[2:3, :].reshape(T)
    w1_ref[...] = rows4[3:4, :].reshape(T)


def _gate(z, Wg, bg):
    return pl.pallas_call(
        _gate_body,
        grid=(1,),
        in_specs=[
            pl.BlockSpec((T, D), lambda i: (0, 0)),
            pl.BlockSpec((E, D), lambda i: (0, 0)),
            pl.BlockSpec((1, E), lambda i: (0, 0)),
        ],
        out_specs=[
            pl.BlockSpec((T,), lambda i: (0,)),
            pl.BlockSpec((T,), lambda i: (0,)),
            pl.BlockSpec((T,), lambda i: (0,)),
            pl.BlockSpec((T,), lambda i: (0,)),
            pl.BlockSpec((1, NBLK), lambda i: (0, 0)),
            pl.BlockSpec((1, 16), lambda i: (0, 0)),
        ],
        out_shape=[
            jax.ShapeDtypeStruct((T,), jnp.int32),
            jax.ShapeDtypeStruct((T,), jnp.int32),
            jax.ShapeDtypeStruct((T,), jnp.float32),
            jax.ShapeDtypeStruct((T,), jnp.float32),
            jax.ShapeDtypeStruct((1, NBLK), jnp.int32),
            jax.ShapeDtypeStruct((1, 16), jnp.int32),
        ],
    )(z, Wg, bg.reshape(1, E))


def _sc_dispatch(z, p0, p1):
    mesh = plsc.VectorSubcoreMesh(core_axis_name="c", subcore_axis_name="s")
    nw = 32
    per = T // nw

    @functools.partial(
        pl.kernel,
        out_type=jax.ShapeDtypeStruct((NBLK * BLK, D), jnp.float32),
        mesh=mesh,
        compiler_params=_sc_params(),
        scratch_types=[
            pltpu.VMEM((per,), jnp.int32),
            pltpu.VMEM((per,), jnp.int32),
            pltpu.VMEM((per, D), jnp.float32),
            pltpu.SemaphoreType.DMA,
            pltpu.SemaphoreType.DMA,
            pltpu.SemaphoreType.DMA,
        ],
    )
    def k(z_hbm, p0_hbm, p1_hbm, x_hbm, i0, i1, buf, s0, s1, s2):
        wid = lax.axis_index("s") * 2 + lax.axis_index("c")
        base = wid * per
        c0 = pltpu.async_copy(p0_hbm.at[pl.ds(base, per)], i0, s0)
        c1 = pltpu.async_copy(p1_hbm.at[pl.ds(base, per)], i1, s1)
        c2 = pltpu.async_copy(z_hbm.at[pl.ds(base, per)], buf, s2)
        c0.wait()
        c2.wait()
        c3 = pltpu.async_copy(buf, x_hbm.at[i0], s0)
        c1.wait()
        c4 = pltpu.async_copy(buf, x_hbm.at[i1], s1)
        c3.wait()
        c4.wait()

    return k(z, p0, p1)


def _ffn_body(eob_ref, tot_ref, x_ref, w1_ref, b1_ref, w2_ref, b2_ref, y_ref):
    j = pl.program_id(0)

    @pl.when(j < tot_ref[0, 0])
    def _():
        x = x_ref[...]
        h = jnp.maximum(
            lax.dot_general(x, w1_ref[0], (((1,), (0,)), ((), ())),
                            preferred_element_type=jnp.float32)
            + b1_ref[0], 0.0)
        y_ref[...] = lax.dot_general(
            h, w2_ref[0], (((1,), (0,)), ((), ())),
            preferred_element_type=jnp.float32) + b2_ref[0]


def _ffn(X, W1, b1, W2, b2, eob, tot):
    grid_spec = pltpu.PrefetchScalarGridSpec(
        num_scalar_prefetch=2,
        grid=(NBLK,),
        in_specs=[
            pl.BlockSpec((BLK, D),
                         lambda j, eob, tot: (lax.select(j < tot[0, 0], j, 0),
                                              0)),
            pl.BlockSpec((1, D, H), lambda j, eob, tot: (eob[0, j], 0, 0)),
            pl.BlockSpec((1, 1, H), lambda j, eob, tot: (eob[0, j], 0, 0)),
            pl.BlockSpec((1, H, D), lambda j, eob, tot: (eob[0, j], 0, 0)),
            pl.BlockSpec((1, 1, D), lambda j, eob, tot: (eob[0, j], 0, 0)),
        ],
        out_specs=pl.BlockSpec(
            (BLK, D),
            lambda j, eob, tot: (lax.select(j < tot[0, 0], j, NBLK), 0)),
    )
    return pl.pallas_call(
        _ffn_body,
        grid_spec=grid_spec,
        out_shape=jax.ShapeDtypeStruct(((NBLK + 1) * BLK, D), jnp.float32),
    )(eob, tot, X, W1, b1.reshape(E, 1, H), W2, b2.reshape(E, 1, D))


def _sc_combine(Y, p0, p1, w0, w1):
    mesh = plsc.VectorSubcoreMesh(core_axis_name="c", subcore_axis_name="s")
    nw = 32
    per = T // nw

    @functools.partial(
        pl.kernel,
        out_type=jax.ShapeDtypeStruct((T, D), jnp.float32),
        mesh=mesh,
        compiler_params=_sc_params(),
        scratch_types=[
            pltpu.VMEM((per,), jnp.int32),
            pltpu.VMEM((per,), jnp.int32),
            pltpu.VMEM((per,), jnp.float32),
            pltpu.VMEM((per,), jnp.float32),
            pltpu.VMEM((per, D), jnp.float32),
            pltpu.VMEM((per, D), jnp.float32),
            pltpu.SemaphoreType.DMA,
            pltpu.SemaphoreType.DMA,
        ],
    )
    def k(y_hbm, p0_hbm, p1_hbm, w0_hbm, w1_hbm, o_hbm,
          i0, i1, iw0, iw1, b0, b1, s0, s1):
        wid = lax.axis_index("s") * 2 + lax.axis_index("c")
        base = wid * per
        c0 = pltpu.async_copy(p0_hbm.at[pl.ds(base, per)], i0, s0)
        c1 = pltpu.async_copy(p1_hbm.at[pl.ds(base, per)], i1, s1)
        pltpu.sync_copy(w0_hbm.at[pl.ds(base, per)], iw0)
        pltpu.sync_copy(w1_hbm.at[pl.ds(base, per)], iw1)
        c0.wait()
        g0 = pltpu.async_copy(y_hbm.at[i0], b0, s0)
        c1.wait()
        g1 = pltpu.async_copy(y_hbm.at[i1], b1, s1)
        g0.wait()
        g1.wait()

        @pl.loop(0, per)
        def _(i):
            bidx = jnp.full((16,), i, jnp.int32)
            wv0 = plsc.load_gather(iw0, [bidx])
            wv1 = plsc.load_gather(iw1, [bidx])
            for c in range(0, D, 16):
                b0[i, pl.ds(c, 16)] = (wv0 * b0[i, pl.ds(c, 16)]
                                       + wv1 * b1[i, pl.ds(c, 16)])

        pltpu.sync_copy(b0, o_hbm.at[pl.ds(base, per)])

    return k(Y, p0, p1, w0, w1)


def kernel(z, Wg, bg, W1, b1, W2, b2):
    pos0, pos1, w0, w1, eob, tot = _gate(z, Wg, bg)
    X = _sc_dispatch(z, pos0, pos1)
    Y = _ffn(X, W1, b1, W2, b2, eob, tot)
    return _sc_combine(Y, pos0, pos1, w0, w1)

# --- scband reference (transcript-rebuilt; emitter-appended) ---
"""Pipeline reference for scband-sparse-mo-e-77506979824192 (READ-ONLY COPY).

The authoritative reference and input builder live on the scoring server;
editing this copy changes nothing except your own understanding.
"""

import jax, jax.numpy as jnp
import numpy as np

N_EXPERTS = 64
TOP_K = 2
LATENT_DIM = 768
HIDDEN_DIM = 768
T_TOKENS = 2048


def setup_inputs(seed: int = 0) -> dict:
    key = jax.random.key(seed)
    ks = jax.random.split(key, 8)
    z = jax.random.normal(ks[0], (T_TOKENS, LATENT_DIM), dtype=jnp.float32)
    Wg = jax.random.normal(ks[1], (N_EXPERTS, LATENT_DIM), dtype=jnp.float32) * 0.02
    bg = jnp.zeros((N_EXPERTS,), dtype=jnp.float32)
    W1 = jax.random.normal(ks[2], (N_EXPERTS, LATENT_DIM, HIDDEN_DIM), dtype=jnp.float32) * 0.02
    b1 = jnp.zeros((N_EXPERTS, HIDDEN_DIM), dtype=jnp.float32)
    W2 = jax.random.normal(ks[3], (N_EXPERTS, HIDDEN_DIM, LATENT_DIM), dtype=jnp.float32) * 0.02
    b2 = jnp.zeros((N_EXPERTS, LATENT_DIM), dtype=jnp.float32)
    return {"z": z, "Wg": Wg, "bg": bg, "W1": W1, "b1": b1, "W2": W2, "b2": b2}


def reference(z, Wg, bg, W1, b1, W2, b2):
    # gate: softmax over expert logits, then top-k routing weights
    logits = z @ Wg.T + bg
    w = jax.nn.softmax(logits, axis=-1)
    topw, idx = jax.lax.top_k(w, TOP_K)
    T = z.shape[0]
    # scatter top-k weights back into a dense [T, E] combine matrix
    comb = jnp.zeros((T, N_EXPERTS), dtype=z.dtype).at[jnp.arange(T)[:, None], idx].add(topw)
    # out[t] = sum_e comb[t,e] * expert_e(z[t])  (identical math to the per-token torch loop)
    out = jnp.zeros_like(z)
    for e in range(N_EXPERTS):
        h = jax.nn.relu(z @ W1[e] + b1[e])
        y = h @ W2[e] + b2[e]
        out = out + comb[:, e:e + 1] * y
    return out

if __name__ == "__main__":
    import jax
    _d = setup_inputs()
    print(jax.jit(kernel)(*tuple(_d.values())))

</pallas_src>

<mosaic_0001>
#map = affine_map<(d0, d1) -> (0, 0)>
#map1 = affine_map<(d0, d1) -> (0)>
module attributes {stable_mosaic.version = 14 : i64} {
  func.func @k(%arg0: i32, %arg1: i32, %arg2: memref<2048x768xf32, #tpu.memory_space<hbm>>, %arg3: memref<2048xi32, #tpu.memory_space<hbm>>, %arg4: memref<2048xi32, #tpu.memory_space<hbm>>, %arg5: memref<12288x768xf32, #tpu.memory_space<hbm>>, %arg6: memref<64xi32, #tpu.memory_space<vmem>>, %arg7: memref<64xi32, #tpu.memory_space<vmem>>, %arg8: memref<64x768xf32, #tpu.memory_space<vmem>>, %arg9: memref<!tpu.dma_semaphore, #tpu.memory_space<semaphore_mem>>, %arg10: memref<!tpu.dma_semaphore, #tpu.memory_space<semaphore_mem>>, %arg11: memref<!tpu.dma_semaphore, #tpu.memory_space<semaphore_mem>>) attributes {dimension_semantics = [#tpu.dimension_semantics<core_parallel>, #tpu.dimension_semantics<subcore_parallel>], iteration_bounds = array<i64: 2, 16>, scalar_prefetch = 0 : i64, scratch_operands = 6 : i64, tpu.core_type = #tpu.core_type<sc_vector_subcore>, window_params = [{transform_indices = #map}, {transform_indices = #map1}, {transform_indices = #map1}, {transform_indices = #map}]} {
    %mul3A = arith.constant 2 : i32
    %mul3A_0 = arith.muli %arg1, %mul3A : i32
    %add3A = arith.addi %mul3A_0, %arg0 : i32
    %mul3A_1 = arith.constant 64 : i32
    %mul3A_2 = arith.muli %add3A, %mul3A_1 : i32
    %dma_start3A = tpu.memref_slice %arg3[%mul3A_2] : memref<2048xi32, #tpu.memory_space<hbm>> -> memref<64xi32, #tpu.memory_space<hbm>>
    %dma_start3A_3 = tpu.memref_slice %arg3[%mul3A_2] : memref<2048xi32, #tpu.memory_space<hbm>> -> memref<64xi32, #tpu.memory_space<hbm>>
    tpu.enqueue_dma source(%dma_start3A_3 : memref<64xi32, #tpu.memory_space<hbm>>) target(%arg6 : memref<64xi32, #tpu.memory_space<vmem>>) target_semaphore(%arg9 : memref<!tpu.dma_semaphore, #tpu.memory_space<semaphore_mem>>)
    %dma_start3A_4 = tpu.memref_slice %arg4[%mul3A_2] : memref<2048xi32, #tpu.memory_space<hbm>> -> memref<64xi32, #tpu.memory_space<hbm>>
    %dma_start3A_5 = tpu.memref_slice %arg4[%mul3A_2] : memref<2048xi32, #tpu.memory_space<hbm>> -> memref<64xi32, #tpu.memory_space<hbm>>
    tpu.enqueue_dma source(%dma_start3A_5 : memref<64xi32, #tpu.memory_space<hbm>>) target(%arg7 : memref<64xi32, #tpu.memory_space<vmem>>) target_semaphore(%arg10 : memref<!tpu.dma_semaphore, #tpu.memory_space<semaphore_mem>>)
    %dma_start3A_6 = arith.constant 0 : i32
    %dma_start3A_7 = tpu.memref_slice %arg2[%mul3A_2, %dma_start3A_6] : memref<2048x768xf32, #tpu.memory_space<hbm>> -> memref<64x768xf32, #tpu.memory_space<hbm>>
    %dma_start3A_8 = arith.constant 0 : i32
    %dma_start3A_9 = tpu.memref_slice %arg2[%mul3A_2, %dma_start3A_8] : memref<2048x768xf32, #tpu.memory_space<hbm>> -> memref<64x768xf32, #tpu.memory_space<hbm>>
    tpu.enqueue_dma source(%dma_start3A_9 : memref<64x768xf32, #tpu.memory_space<hbm>>) target(%arg8 : memref<64x768xf32, #tpu.memory_space<vmem>>) target_semaphore(%arg11 : memref<!tpu.dma_semaphore, #tpu.memory_space<semaphore_mem>>)
    %dma_wait3A = tpu.memref_slice %arg3[%mul3A_2] : memref<2048xi32, #tpu.memory_space<hbm>> -> memref<64xi32, #tpu.memory_space<hbm>>
    %dma_wait3A_10 = tpu.memref_slice %arg3[%mul3A_2] : memref<2048xi32, #tpu.memory_space<hbm>> -> memref<64xi32, #tpu.memory_space<hbm>>
    tpu.wait_dma2 semaphore(%arg9 : memref<!tpu.dma_semaphore, #tpu.memory_space<semaphore_mem>>) src(%dma_wait3A_10 : memref<64xi32, #tpu.memory_space<hbm>>) dst(%arg6 : memref<64xi32, #tpu.memory_space<vmem>>)
    %dma_wait3A_11 = arith.constant 0 : i32
    %dma_wait3A_12 = tpu.memref_slice %arg2[%mul3A_2, %dma_wait3A_11] : memref<2048x768xf32, #tpu.memory_space<hbm>> -> memref<64x768xf32, #tpu.memory_space<hbm>>
    %dma_wait3A_13 = arith.constant 0 : i32
    %dma_wait3A_14 = tpu.memref_slice %arg2[%mul3A_2, %dma_wait3A_13] : memref<2048x768xf32, #tpu.memory_space<hbm>> -> memref<64x768xf32, #tpu.memory_space<hbm>>
    tpu.wait_dma2 semaphore(%arg11 : memref<!tpu.dma_semaphore, #tpu.memory_space<semaphore_mem>>) src(%dma_wait3A_14 : memref<64x768xf32, #tpu.memory_space<hbm>>) dst(%arg8 : memref<64x768xf32, #tpu.memory_space<vmem>>)
    %dma_start3A_15 = arith.constant 0 : i32
    %dma_start3A_16 = arith.constant 0 : i32
    %dma_start3A_17 = tpu.memref_slice %arg5[%dma_start3A_15, %dma_start3A_16] : memref<12288x768xf32, #tpu.memory_space<hbm>> -> memref<12288x768xf32, #tpu.memory_space<hbm>>
    tpu.enqueue_indirect_dma source(%arg8 : memref<64x768xf32, #tpu.memory_space<vmem>>) target(%dma_start3A_17 : memref<12288x768xf32, #tpu.memory_space<hbm>>) offsets(%arg6 : memref<64xi32, #tpu.memory_space<vmem>>) semaphore(%arg9 : memref<!tpu.dma_semaphore, #tpu.memory_space<semaphore_mem>>)
    %dma_wait3A_18 = tpu.memref_slice %arg4[%mul3A_2] : memref<2048xi32, #tpu.memory_space<hbm>> -> memref<64xi32, #tpu.memory_space<hbm>>
    %dma_wait3A_19 = tpu.memref_slice %arg4[%mul3A_2] : memref<2048xi32, #tpu.memory_space<hbm>> -> memref<64xi32, #tpu.memory_space<hbm>>
    tpu.wait_dma2 semaphore(%arg10 : memref<!tpu.dma_semaphore, #tpu.memory_space<semaphore_mem>>) src(%dma_wait3A_19 : memref<64xi32, #tpu.memory_space<hbm>>) dst(%arg7 : memref<64xi32, #tpu.memory_space<vmem>>)
    %dma_start3A_20 = arith.constant 0 : i32
    %dma_start3A_21 = arith.constant 0 : i32
    %dma_start3A_22 = tpu.memref_slice %arg5[%dma_start3A_20, %dma_start3A_21] : memref<12288x768xf32, #tpu.memory_space<hbm>> -> memref<12288x768xf32, #tpu.memory_space<hbm>>
    tpu.enqueue_indirect_dma source(%arg8 : memref<64x768xf32, #tpu.memory_space<vmem>>) target(%dma_start3A_22 : memref<12288x768xf32, #tpu.memory_space<hbm>>) offsets(%arg7 : memref<64xi32, #tpu.memory_space<vmem>>) semaphore(%arg10 : memref<!tpu.dma_semaphore, #tpu.memory_space<semaphore_mem>>)
    %dma_wait3A_23 = arith.constant 0 : i32
    %dma_wait3A_24 = arith.constant 0 : i32
    %dma_wait3A_25 = tpu.memref_slice %arg5[%dma_wait3A_23, %dma_wait3A_24] : memref<12288x768xf32, #tpu.memory_space<hbm>> -> memref<12288x768xf32, #tpu.memory_space<hbm>>
    tpu.wait_indirect_dma semaphore(%arg9 : memref<!tpu.dma_semaphore, #tpu.memory_space<semaphore_mem>>) src(%arg8 : memref<64x768xf32, #tpu.memory_space<vmem>>) dst(%dma_wait3A_25 : memref<12288x768xf32, #tpu.memory_space<hbm>>)
    %dma_wait3A_26 = arith.constant 0 : i32
    %dma_wait3A_27 = arith.constant 0 : i32
    %dma_wait3A_28 = tpu.memref_slice %arg5[%dma_wait3A_26, %dma_wait3A_27] : memref<12288x768xf32, #tpu.memory_space<hbm>> -> memref<12288x768xf32, #tpu.memory_space<hbm>>
    tpu.wait_indirect_dma semaphore(%arg10 : memref<!tpu.dma_semaphore, #tpu.memory_space<semaphore_mem>>) src(%arg8 : memref<64x768xf32, #tpu.memory_space<vmem>>) dst(%dma_wait3A_28 : memref<12288x768xf32, #tpu.memory_space<hbm>>)
    return
  }
}

#map = affine_map<(d0, d1) -> (0, 0)>
#map1 = affine_map<(d0, d1) -> (0)>
module attributes {stable_mosaic.version = 14 : i64} {
  func.func @k(%arg0: i32, %arg1: i32, %arg2: memref<12416x768xf32, #tpu.memory_space<hbm>>, %arg3: memref<2048xi32, #tpu.memory_space<hbm>>, %arg4: memref<2048xi32, #tpu.memory_space<hbm>>, %arg5: memref<2048xf32, #tpu.memory_space<hbm>>, %arg6: memref<2048xf32, #tpu.memory_space<hbm>>, %arg7: memref<2048x768xf32, #tpu.memory_space<hbm>>, %arg8: memref<64xi32, #tpu.memory_space<vmem>>, %arg9: memref<64xi32, #tpu.memory_space<vmem>>, %arg10: memref<64xf32, #tpu.memory_space<vmem>>, %arg11: memref<64xf32, #tpu.memory_space<vmem>>, %arg12: memref<64x768xf32, #tpu.memory_space<vmem>>, %arg13: memref<64x768xf32, #tpu.memory_space<vmem>>, %arg14: memref<!tpu.dma_semaphore, #tpu.memory_space<semaphore_mem>>, %arg15: memref<!tpu.dma_semaphore, #tpu.memory_space<semaphore_mem>>) attributes {dimension_semantics = [#tpu.dimension_semantics<core_parallel>, #tpu.dimension_semantics<subcore_parallel>], iteration_bounds = array<i64: 2, 16>, scalar_prefetch = 0 : i64, scratch_operands = 8 : i64, tpu.core_type = #tpu.core_type<sc_vector_subcore>, window_params = [{transform_indices = #map}, {transform_indices = #map1}, {transform_indices = #map1}, {transform_indices = #map1}, {transform_indices = #map1}, {transform_indices = #map}]} {
    %mul3A = arith.constant 2 : i32
    %mul3A_0 = arith.muli %arg1, %mul3A : i32
    %add3A = arith.addi %mul3A_0, %arg0 : i32
    %mul3A_1 = arith.constant 64 : i32
    %mul3A_2 = arith.muli %add3A, %mul3A_1 : i32
    %dma_start3A = tpu.memref_slice %arg3[%mul3A_2] : memref<2048xi32, #tpu.memory_space<hbm>> -> memref<64xi32, #tpu.memory_space<hbm>>
    %dma_start3A_3 = tpu.memref_slice %arg3[%mul3A_2] : memref<2048xi32, #tpu.memory_space<hbm>> -> memref<64xi32, #tpu.memory_space<hbm>>
    tpu.enqueue_dma source(%dma_start3A_3 : memref<64xi32, #tpu.memory_space<hbm>>) target(%arg8 : memref<64xi32, #tpu.memory_space<vmem>>) target_semaphore(%arg14 : memref<!tpu.dma_semaphore, #tpu.memory_space<semaphore_mem>>)
    %dma_start3A_4 = tpu.memref_slice %arg4[%mul3A_2] : memref<2048xi32, #tpu.memory_space<hbm>> -> memref<64xi32, #tpu.memory_space<hbm>>
    %dma_start3A_5 = tpu.memref_slice %arg4[%mul3A_2] : memref<2048xi32, #tpu.memory_space<hbm>> -> memref<64xi32, #tpu.memory_space<hbm>>
    tpu.enqueue_dma source(%dma_start3A_5 : memref<64xi32, #tpu.memory_space<hbm>>) target(%arg9 : memref<64xi32, #tpu.memory_space<vmem>>) target_semaphore(%arg15 : memref<!tpu.dma_semaphore, #tpu.memory_space<semaphore_mem>>)
    "tpu.region"() ({
      %run_scoped3A = tpu.sem_alloc : memref<!tpu.dma_semaphore, #tpu.memory_space<semaphore_mem>>
      %dma_start3A_25 = tpu.memref_slice %arg5[%mul3A_2] : memref<2048xf32, #tpu.memory_space<hbm>> -> memref<64xf32, #tpu.memory_space<hbm>>
      %dma_start3A_26 = tpu.memref_slice %arg5[%mul3A_2] : memref<2048xf32, #tpu.memory_space<hbm>> -> memref<64xf32, #tpu.memory_space<hbm>>
      tpu.enqueue_dma source(%dma_start3A_26 : memref<64xf32, #tpu.memory_space<hbm>>) target(%arg10 : memref<64xf32, #tpu.memory_space<vmem>>) target_semaphore(%run_scoped3A : memref<!tpu.dma_semaphore, #tpu.memory_space<semaphore_mem>>)
      %dma_wait3A_27 = tpu.memref_slice %arg5[%mul3A_2] : memref<2048xf32, #tpu.memory_space<hbm>> -> memref<64xf32, #tpu.memory_space<hbm>>
      %dma_wait3A_28 = tpu.memref_slice %arg5[%mul3A_2] : memref<2048xf32, #tpu.memory_space<hbm>> -> memref<64xf32, #tpu.memory_space<hbm>>
      tpu.wait_dma2 semaphore(%run_scoped3A : memref<!tpu.dma_semaphore, #tpu.memory_space<semaphore_mem>>) src(%dma_wait3A_28 : memref<64xf32, #tpu.memory_space<hbm>>) dst(%arg10 : memref<64xf32, #tpu.memory_space<vmem>>)
      tpu.yield
    }) : () -> ()
    "tpu.region"() ({
      %run_scoped3A = tpu.sem_alloc : memref<!tpu.dma_semaphore, #tpu.memory_space<semaphore_mem>>
      %dma_start3A_25 = tpu.memref_slice %arg6[%mul3A_2] : memref<2048xf32, #tpu.memory_space<hbm>> -> memref<64xf32, #tpu.memory_space<hbm>>
      %dma_start3A_26 = tpu.memref_slice %arg6[%mul3A_2] : memref<2048xf32, #tpu.memory_space<hbm>> -> memref<64xf32, #tpu.memory_space<hbm>>
      tpu.enqueue_dma source(%dma_start3A_26 : memref<64xf32, #tpu.memory_space<hbm>>) target(%arg11 : memref<64xf32, #tpu.memory_space<vmem>>) target_semaphore(%run_scoped3A : memref<!tpu.dma_semaphore, #tpu.memory_space<semaphore_mem>>)
      %dma_wait3A_27 = tpu.memref_slice %arg6[%mul3A_2] : memref<2048xf32, #tpu.memory_space<hbm>> -> memref<64xf32, #tpu.memory_space<hbm>>
      %dma_wait3A_28 = tpu.memref_slice %arg6[%mul3A_2] : memref<2048xf32, #tpu.memory_space<hbm>> -> memref<64xf32, #tpu.memory_space<hbm>>
      tpu.wait_dma2 semaphore(%run_scoped3A : memref<!tpu.dma_semaphore, #tpu.memory_space<semaphore_mem>>) src(%dma_wait3A_28 : memref<64xf32, #tpu.memory_space<hbm>>) dst(%arg11 : memref<64xf32, #tpu.memory_space<vmem>>)
      tpu.yield
    }) : () -> ()
    %dma_wait3A = tpu.memref_slice %arg3[%mul3A_2] : memref<2048xi32, #tpu.memory_space<hbm>> -> memref<64xi32, #tpu.memory_space<hbm>>
    %dma_wait3A_6 = tpu.memref_slice %arg3[%mul3A_2] : memref<2048xi32, #tpu.memory_space<hbm>> -> memref<64xi32, #tpu.memory_space<hbm>>
    tpu.wait_dma2 semaphore(%arg14 : memref<!tpu.dma_semaphore, #tpu.memory_space<semaphore_mem>>) src(%dma_wait3A_6 : memref<64xi32, #tpu.memory_space<hbm>>) dst(%arg8 : memref<64xi32, #tpu.memory_space<vmem>>)
    %dma_start3A_7 = arith.constant 0 : i32
    %dma_start3A_8 = arith.constant 0 : i32
    %dma_start3A_9 = tpu.memref_slice %arg2[%dma_start3A_7, %dma_start3A_8] : memref<12416x768xf32, #tpu.memory_space<hbm>> -> memref<12416x768xf32, #tpu.memory_space<hbm>>
    tpu.enqueue_indirect_dma source(%dma_start3A_9 : memref<12416x768xf32, #tpu.memory_space<hbm>>) target(%arg12 : memref<64x768xf32, #tpu.memory_space<vmem>>) offsets(%arg8 : memref<64xi32, #tpu.memory_space<vmem>>) semaphore(%arg14 : memref<!tpu.dma_semaphore, #tpu.memory_space<semaphore_mem>>)
    %dma_wait3A_10 = tpu.memref_slice %arg4[%mul3A_2] : memref<2048xi32, #tpu.memory_space<hbm>> -> memref<64xi32, #tpu.memory_space<hbm>>
    %dma_wait3A_11 = tpu.memref_slice %arg4[%mul3A_2] : memref<2048xi32, #tpu.memory_space<hbm>> -> memref<64xi32, #tpu.memory_space<hbm>>
    tpu.wait_dma2 semaphore(%arg15 : memref<!tpu.dma_semaphore, #tpu.memory_space<semaphore_mem>>) src(%dma_wait3A_11 : memref<64xi32, #tpu.memory_space<hbm>>) dst(%arg9 : memref<64xi32, #tpu.memory_space<vmem>>)
    %dma_start3A_12 = arith.constant 0 : i32
    %dma_start3A_13 = arith.constant 0 : i32
    %dma_start3A_14 = tpu.memref_slice %arg2[%dma_start3A_12, %dma_start3A_13] : memref<12416x768xf32, #tpu.memory_space<hbm>> -> memref<12416x768xf32, #tpu.memory_space<hbm>>
    tpu.enqueue_indirect_dma source(%dma_start3A_14 : memref<12416x768xf32, #tpu.memory_space<hbm>>) target(%arg13 : memref<64x768xf32, #tpu.memory_space<vmem>>) offsets(%arg9 : memref<64xi32, #tpu.memory_space<vmem>>) semaphore(%arg15 : memref<!tpu.dma_semaphore, #tpu.memory_space<semaphore_mem>>)
    %dma_wait3A_15 = arith.constant 0 : i32
    %dma_wait3A_16 = arith.constant 0 : i32
    %dma_wait3A_17 = tpu.memref_slice %arg2[%dma_wait3A_15, %dma_wait3A_16] : memref<12416x768xf32, #tpu.memory_space<hbm>> -> memref<12416x768xf32, #tpu.memory_space<hbm>>
    tpu.wait_indirect_dma semaphore(%arg14 : memref<!tpu.dma_semaphore, #tpu.memory_space<semaphore_mem>>) src(%dma_wait3A_17 : memref<12416x768xf32, #tpu.memory_space<hbm>>) dst(%arg12 : memref<64x768xf32, #tpu.memory_space<vmem>>)
    %dma_wait3A_18 = arith.constant 0 : i32
    %dma_wait3A_19 = arith.constant 0 : i32
    %dma_wait3A_20 = tpu.memref_slice %arg2[%dma_wait3A_18, %dma_wait3A_19] : memref<12416x768xf32, #tpu.memory_space<hbm>> -> memref<12416x768xf32, #tpu.memory_space<hbm>>
    tpu.wait_indirect_dma semaphore(%arg15 : memref<!tpu.dma_semaphore, #tpu.memory_space<semaphore_mem>>) src(%dma_wait3A_20 : memref<12416x768xf32, #tpu.memory_space<hbm>>) dst(%arg13 : memref<64x768xf32, #tpu.memory_space<vmem>>)
    %scan3A = arith.constant 0 : i32
    %scan3A_21 = arith.constant 64 : i32
    %scan3A_22 = arith.addi %scan3A, %scan3A_21 : i32
    %scan3A_23 = arith.constant 1 : i32
    scf.for %scan3A_25 = %scan3A to %scan3A_22 step %scan3A_23  : i32 {
      %mul3A_26 = arith.constant 1 : i32
      %mul3A_27 = arith.muli %scan3A_25, %mul3A_26 : i32
      %add3A_28 = arith.constant 0 : i32
      %add3A_29 = arith.addi %add3A_28, %mul3A_27 : i32
      %broadcast_in_dim3A = vector.broadcast %add3A_29 : i32 to vector<16xi32>
      %gather3A = tpu.vector_load_idx %arg10[%broadcast_in_dim3A] : memref<64xf32, #tpu.memory_space<vmem>>[vector<16xi32>], vector<16xf32>,
      %gather3A_30 = tpu.vector_load_idx %arg11[%broadcast_in_dim3A] : memref<64xf32, #tpu.memory_space<vmem>>[vector<16xi32>], vector<16xf32>,
      %get3A = arith.index_cast %add3A_29 : i32 to index
      %get3A_31 = arith.constant 0 : index
      %get3A_32 = tpu.vector_load %arg12[%get3A, %get3A_31] {strides = array<i32>} : memref<64x768xf32, #tpu.memory_space<vmem>>, vector<16xf32>,
      %mul3A_33 = arith.mulf %gather3A, %get3A_32 : vector<16xf32>
      %get3A_34 = arith.index_cast %add3A_29 : i32 to index
      %get3A_35 = arith.constant 0 : index
      %get3A_36 = tpu.vector_load %arg13[%get3A_34, %get3A_35] {strides = array<i32>} : memref<64x768xf32, #tpu.memory_space<vmem>>, vector<16xf32>,
      %mul3A_37 = arith.mulf %gather3A_30, %get3A_36 : vector<16xf32>
      %add3A_38 = arith.addf %mul3A_33, %mul3A_37 : vector<16xf32>
      %swap3A = arith.index_cast %add3A_29 : i32 to index
      %swap3A_39 = arith.constant 0 : index
      %swap3A_40 = tpu.vector_load %arg12[%swap3A, %swap3A_39] {strides = array<i32>} : memref<64x768xf32, #tpu.memory_space<vmem>>, vector<16xf32>,
      tpu.vector_store %arg12[%swap3A, %swap3A_39], %add3A_38 {strides = array<i32>} : memref<64x768xf32, #tpu.memory_space<vmem>>, vector<16xf32>,
      %get3A_41 = arith.index_cast %add3A_29 : i32 to index
      %get3A_42 = arith.constant 16 : index
      %get3A_43 = tpu.vector_load %arg12[%get3A_41, %get3A_42] {strides = array<i32>} : memref<64x768xf32, #tpu.memory_space<vmem>>, vector<16xf32>,
      %mul3A_44 = arith.mulf %gather3A, %get3A_43 : vector<16xf32>
      %get3A_45 = arith.index_cast %add3A_29 : i32 to index
      %get3A_46 = arith.constant 16 : index
      %get3A_47 = tpu.vector_load %arg13[%get3A_45, %get3A_46] {strides = array<i32>} : memref<64x768xf32, #tpu.memory_space<vmem>>, vector<16xf32>,
      %mul3A_48 = arith.mulf %gather3A_30, %get3A_47 : vector<16xf32>
      %add3A_49 = arith.addf %mul3A_44, %mul3A_48 : vector<16xf32>
      %swap3A_50 = arith.index_cast %add3A_29 : i32 to index
      %swap3A_51 = arith.constant 16 : index
      %swap3A_52 = tpu.vector_load %arg12[%swap3A_50, %swap3A_51] {strides = array<i32>} : memref<64x768xf32, #tpu.memory_space<vmem>>, vector<16xf32>,
      tpu.vector_store %arg12[%swap3A_50, %swap3A_51], %add3A_49 {strides = array<i32>} : memref<64x768xf32, #tpu.memory_space<vmem>>, vector<16xf32>,
      %get3A_53 = arith.index_cast %add3A_29 : i32 to index
      %get3A_54 = arith.constant 32 : index
      %get3A_55 = tpu.vector_load %arg12[%get3A_53, %get3A_54] {strides = array<i32>} : memref<64x768xf32, #tpu.memory_space<vmem>>, vector<16xf32>,
      %mul3A_56 = arith.mulf %gather3A, %get3A_55 : vector<16xf32>
      %get3A_57 = arith.index_cast %add3A_29 : i32 to index
      %get3A_58 = arith.constant 32 : index
      %get3A_59 = tpu.vector_load %arg13[%get3A_57, %get3A_58] {strides = array<i32>} : memref<64x768xf32, #tpu.memory_space<vmem>>, vector<16xf32>,
      %mul3A_60 = arith.mulf %gather3A_30, %get3A_59 : vector<16xf32>
      %add3A_61 = arith.addf %mul3A_56, %mul3A_60 : vector<16xf32>
      %swap3A_62 = arith.index_cast %add3A_29 : i32 to index
      %swap3A_63 = arith.constant 32 : index
      %swap3A_64 = tpu.vector_load %arg12[%swap3A_62, %swap3A_63] {strides = array<i32>} : memref<64x768xf32, #tpu.memory_space<vmem>>, vector<16xf32>,
      tpu.vector_store %arg12[%swap3A_62, %swap3A_63], %add3A_61 {strides = array<i32>} : memref<64x768xf32, #tpu.memory_space<vmem>>, vector<16xf32>,
      %get3A_65 = arith.index_cast %add3A_29 : i32 to index
      %get3A_66 = arith.constant 48 : index
      %get3A_67 = tpu.vector_load %arg12[%get3A_65, %get3A_66] {strides = array<i32>} : memref<64x768xf32, #tpu.memory_space<vmem>>, vector<16xf32>,
      %mul3A_68 = arith.mulf %gather3A, %get3A_67 : vector<16xf32>
      %get3A_69 = arith.index_cast %add3A_29 : i32 to index
      %get3A_70 = arith.constant 48 : index
      %get3A_71 = tpu.vector_load %arg13[%get3A_69, %get3A_70] {strides = array<i32>} : memref<64x768xf32, #tpu.memory_space<vmem>>, vector<16xf32>,
      %mul3A_72 = arith.mulf %gather3A_30, %get3A_71 : vector<16xf32>
      %add3A_73 = arith.addf %mul3A_68, %mul3A_72 : vector<16xf32>
      %swap3A_74 = arith.index_cast %add3A_29 : i32 to index
      %swap3A_75 = arith.constant 48 : index
      %swap3A_76 = tpu.vector_load %arg12[%swap3A_74, %swap3A_75] {strides = array<i32>} : memref<64x768xf32, #tpu.memory_space<vmem>>, vector<16xf32>,
      tpu.vector_store %arg12[%swap3A_74, %swap3A_75], %add3A_73 {strides = array<i32>} : memref<64x768xf32, #tpu.memory_space<vmem>>, vector<16xf32>,
      %get3A_77 = arith.index_cast %add3A_29 : i32 to index
      %get3A_78 = arith.constant 64 : index
      %get3A_79 = tpu.vector_load %arg12[%get3A_77, %get3A_78] {strides = array<i32>} : memref<64x768xf32, #tpu.memory_space<vmem>>, vector<16xf32>,
      %mul3A_80 = arith.mulf %gather3A, %get3A_79 : vector<16xf32>
      %get3A_81 = arith.index_cast %add3A_29 : i32 to index
      %get3A_82 = arith.constant 64 : index
      %get3A_83 = tpu.vector_load %arg13[%get3A_81, %get3A_82] {strides = array<i32>} : memref<64x768xf32, #tpu.memory_space<vmem>>, vector<16xf32>,
      %mul3A_84 = arith.mulf %gather3A_30, %get3A_83 : vector<16xf32>
      %add3A_85 = arith.addf %mul3A_80, %mul3A_84 : vector<16xf32>
      %swap3A_86 = arith.index_cast %add3A_29 : i32 to index
      %swap3A_87 = arith.constant 64 : index
      %swap3A_88 = tpu.vector_load %arg12[%swap3A_86, %swap3A_87] {strides = array<i32>} : memref<64x768xf32, #tpu.memory_space<vmem>>, vector<16xf32>,
      tpu.vector_store %arg12[%swap3A_86, %swap3A_87], %add3A_85 {strides = array<i32>} : memref<64x768xf32, #tpu.memory_space<vmem>>, vector<16xf32>,
      %get3A_89 = arith.index_cast %add3A_29 : i32 to index
      %get3A_90 = arith.constant 80 : index
      %get3A_91 = tpu.vector_load %arg12[%get3A_89, %get3A_90] {strides = array<i32>} : memref<64x768xf32, #tpu.memory_space<vmem>>, vector<16xf32>,
      %mul3A_92 = arith.mulf %gather3A, %get3A_91 : vector<16xf32>
      %get3A_93 = arith.index_cast %add3A_29 : i32 to index
      %get3A_94 = arith.constant 80 : index
      %get3A_95 = tpu.vector_load %arg13[%get3A_93, %get3A_94] {strides = array<i32>} : memref<64x768xf32, #tpu.memory_space<vmem>>, vector<16xf32>,
      %mul3A_96 = arith.mulf %gather3A_30, %get3A_95 : vector<16xf32>
      %add3A_97 = arith.addf %mul3A_92, %mul3A_96 : vector<16xf32>
      %swap3A_98 = arith.index_cast %add3A_29 : i32 to index
      %swap3A_99 = arith.constant 80 : index
      %swap3A_100 = tpu.vector_load %arg12[%swap3A_98, %swap3A_99] {strides = array<i32>} : memref<64x768xf32, #tpu.memory_space<vmem>>, vector<16xf32>,
      tpu.vector_store %arg12[%swap3A_98, %swap3A_99], %add3A_97 {strides = array<i32>} : memref<64x768xf32, #tpu.memory_space<vmem>>, vector<16xf32>,
      %get3A_101 = arith.index_cast %add3A_29 : i32 to index
      %get3A_102 = arith.constant 96 : index
      %get3A_103 = tpu.vector_load %arg12[%get3A_101, %get3A_102] {strides = array<i32>} : memref<64x768xf32, #tpu.memory_space<vmem>>, vector<16xf32>,
      %mul3A_104 = arith.mulf %gather3A, %get3A_103 : vector<16xf32>
      %get3A_105 = arith.index_cast %add3A_29 : i32 to index
      %get3A_106 = arith.constant 96 : index
      %get3A_107 = tpu.vector_load %arg13[%get3A_105, %get3A_106] {strides = array<i32>} : memref<64x768xf32, #tpu.memory_space<vmem>>, vector<16xf32>,
      %mul3A_108 = arith.mulf %gather3A_30, %get3A_107 : vector<16xf32>
      %add3A_109 = arith.addf %mul3A_104, %mul3A_108 : vector<16xf32>
      %swap3A_110 = arith.index_cast %add3A_29 : i32 to index
      %swap3A_111 = arith.constant 96 : index
      %swap3A_112 = tpu.vector_load %arg12[%swap3A_110, %swap3A_111] {strides = array<i32>} : memref<64x768xf32, #tpu.memory_space<vmem>>, vector<16xf32>,
      tpu.vector_store %arg12[%swap3A_110, %swap3A_111], %add3A_109 {strides = array<i32>} : memref<64x768xf32, #tpu.memory_space<vmem>>, vector<16xf32>,
      %get3A_113 = arith.index_cast %add3A_29 : i32 to index
      %get3A_114 = arith.constant 112 : index
      %get3A_115 = tpu.vector_load %arg12[%get3A_113, %get3A_114] {strides = array<i32>} : memref<64x768xf32, #tpu.memory_space<vmem>>, vector<16xf32>,
      %mul3A_116 = arith.mulf %gather3A, %get3A_115 : vector<16xf32>
      %get3A_117 = arith.index_cast %add3A_29 : i32 to index
      %get3A_118 = arith.constant 112 : index
      %get3A_119 = tpu.vector_load %arg13[%get3A_117, %get3A_118] {strides = array<i32>} : memref<64x768xf32, #tpu.memory_space<vmem>>, vector<16xf32>,
      %mul3A_120 = arith.mulf %gather3A_30, %get3A_119 : vector<16xf32>
      %add3A_121 = arith.addf %mul3A_116, %mul3A_120 : vector<16xf32>
      %swap3A_122 = arith.index_cast %add3A_29 : i32 to index
      %swap3A_123 = arith.constant 112 : index
      %swap3A_124 = tpu.vector_load %arg12[%swap3A_122, %swap3A_123] {strides = array<i32>} : memref<64x768xf32, #tpu.memory_space<vmem>>, vector<16xf32>,
      tpu.vector_store %arg12[%swap3A_122, %swap3A_123], %add3A_121 {strides = array<i32>} : memref<64x768xf32, #tpu.memory_space<vmem>>, vector<16xf32>,
      %get3A_125 = arith.index_cast %add3A_29 : i32 to index
      %get3A_126 = arith.constant 128 : index
      %get3A_127 = tpu.vector_load %arg12[%get3A_125, %get3A_126] {strides = array<i32>} : memref<64x768xf32, #tpu.memory_space<vmem>>, vector<16xf32>,
      %mul3A_128 = arith.mulf %gather3A, %get3A_127 : vector<16xf32>
      %get3A_129 = arith.index_cast %add3A_29 : i32 to index
      %get3A_130 = arith.constant 128 : index
      %get3A_131 = tpu.vector_load %arg13[%get3A_129, %get3A_130] {strides = array<i32>} : memref<64x768xf32, #tpu.memory_space<vmem>>, vector<16xf32>,
      %mul3A_132 = arith.mulf %gather3A_30, %get3A_131 : vector<16xf32>
      %add3A_133 = arith.addf %mul3A_128, %mul3A_132 : vector<16xf32>
      %swap3A_134 = arith.index_cast %add3A_29 : i32 to index
      %swap3A_135 = arith.constant 128 : index
      %swap3A_136 = tpu.vector_load %arg12[%swap3A_134, %swap3A_135] {strides = array<i32>} : memref<64x768xf32, #tpu.memory_space<vmem>>, vector<16xf32>,
      tpu.vector_store %arg12[%swap3A_134, %swap3A_135], %add3A_133 {strides = array<i32>} : memref<64x768xf32, #tpu.memory_space<vmem>>, vector<16xf32>,
      %get3A_137 = arith.index_cast %add3A_29 : i32 to index
      %get3A_138 = arith.constant 144 : index
      %get3A_139 = tpu.vector_load %arg12[%get3A_137, %get3A_138] {strides = array<i32>} : memref<64x768xf32, #tpu.memory_space<vmem>>, vector<16xf32>,
      %mul3A_140 = arith.mulf %gather3A, %get3A_139 : vector<16xf32>
      %get3A_141 = arith.index_cast %add3A_29 : i32 to index
      %get3A_142 = arith.constant 144 : index
      %get3A_143 = tpu.vector_load %arg13[%get3A_141, %get3A_142] {strides = array<i32>} : memref<64x768xf32, #tpu.memory_space<vmem>>, vector<16xf32>,
      %mul3A_144 = arith.mulf %gather3A_30, %get3A_143 : vector<16xf32>
      %add3A_145 = arith.addf %mul3A_140, %mul3A_144 : vector<16xf32>
      %swap3A_146 = arith.index_cast %add3A_29 : i32 to index
      %swap3A_147 = arith.constant 144 : index
      %swap3A_148 = tpu.vector_load %arg12[%swap3A_146, %swap3A_147] {strides = array<i32>} : memref<64x768xf32, #tpu.memory_space<vmem>>, vector<16xf32>,
      tpu.vector_store %arg12[%swap3A_146, %swap3A_147], %add3A_145 {strides = array<i32>} : memref<64x768xf32, #tpu.memory_space<vmem>>, vector<16xf32>,
      %get3A_149 = arith.index_cast %add3A_29 : i32 to index
      %get3A_150 = arith.constant 160 : index
      %get3A_151 = tpu.vector_load %arg12[%get3A_149, %get3A_150] {strides = array<i32>} : memref<64x768xf32, #tpu.memory_space<vmem>>, vector<16xf32>,
      %mul3A_152 = arith.mulf %gather3A, %get3A_151 : vector<16xf32>
      %get3A_153 = arith.index_cast %add3A_29 : i32 to index
      %get3A_154 = arith.constant 160 : index
      %get3A_155 = tpu.vector_load %arg13[%get3A_153, %get3A_154] {strides = array<i32>} : memref<64x768xf32, #tpu.memory_space<vmem>>, vector<16xf32>,
      %mul3A_156 = arith.mulf %gather3A_30, %get3A_155 : vector<16xf32>
      %add3A_157 = arith.addf %mul3A_152, %mul3A_156 : vector<16xf32>
      %swap3A_158 = arith.index_cast %add3A_29 : i32 to index
      %swap3A_159 = arith.constant 160 : index
      %swap3A_160 = tpu.vector_load %arg12[%swap3A_158, %swap3A_159] {strides = array<i32>} : memref<64x768xf32, #tpu.memory_space<vmem>>, vector<16xf32>,
      tpu.vector_store %arg12[%swap3A_158, %swap3A_159], %add3A_157 {strides = array<i32>} : memref<64x768xf32, #tpu.memory_space<vmem>>, vector<16xf32>,
      %get3A_161 = arith.index_cast %add3A_29 : i32 to index
      %get3A_162 = arith.constant 176 : index
      %get3A_163 = tpu.vector_load %arg12[%get3A_161, %get3A_162] {strides = array<i32>} : memref<64x768xf32, #tpu.memory_space<vmem>>, vector<16xf32>,
      %mul3A_164 = arith.mulf %gather3A, %get3A_163 : vector<16xf32>
      %get3A_165 = arith.index_cast %add3A_29 : i32 to index
      %get3A_166 = arith.constant 176 : index
      %get3A_167 = tpu.vector_load %arg13[%get3A_165, %get3A_166] {strides = array<i32>} : memref<64x768xf32, #tpu.memory_space<vmem>>, vector<16xf32>,
      %mul3A_168 = arith.mulf %gather3A_30, %get3A_167 : vector<16xf32>
      %add3A_169 = arith.addf %mul3A_164, %mul3A_168 : vector<16xf32>
      %swap3A_170 = arith.index_cast %add3A_29 : i32 to index
      %swap3A_171 = arith.constant 176 : index
      %swap3A_172 = tpu.vector_load %arg12[%swap3A_170, %swap3A_171] {strides = array<i32>} : memref<64x768xf32, #tpu.memory_space<vmem>>, vector<16xf32>,
      tpu.vector_store %arg12[%swap3A_170, %swap3A_171], %add3A_169 {strides = array<i32>} : memref<64x768xf32, #tpu.memory_space<vmem>>, vector<16xf32>,
      %get3A_173 = arith.index_cast %add3A_29 : i32 to index
      %get3A_174 = arith.constant 192 : index
      %get3A_175 = tpu.vector_load %arg12[%get3A_173, %get3A_174] {strides = array<i32>} : memref<64x768xf32, #tpu.memory_space<vmem>>, vector<16xf32>,
      %mul3A_176 = arith.mulf %gather3A, %get3A_175 : vector<16xf32>
      %get3A_177 = arith.index_cast %add3A_29 : i32 to index
      %get3A_178 = arith.constant 192 : index
      %get3A_179 = tpu.vector_load %arg13[%get3A_177, %get3A_178] {strides = array<i32>} : memref<64x768xf32, #tpu.memory_space<vmem>>, vector<16xf32>,
      %mul3A_180 = arith.mulf %gather3A_30, %get3A_179 : vector<16xf32>
      %add3A_181 = arith.addf %mul3A_176, %mul3A_180 : vector<16xf32>
      %swap3A_182 = arith.index_cast %add3A_29 : i32 to index
      %swap3A_183 = arith.constant 192 : index
      %swap3A_184 = tpu.vector_load %arg12[%swap3A_182, %swap3A_183] {strides = array<i32>} : memref<64x768xf32, #tpu.memory_space<vmem>>, vector<16xf32>,
      tpu.vector_store %arg12[%swap3A_182, %swap3A_183], %add3A_181 {strides = array<i32>} : memref<64x768xf32, #tpu.memory_space<vmem>>, vector<16xf32>,
      %get3A_185 = arith.index_cast %add3A_29 : i32 to index
      %get3A_186 = arith.constant 208 : index
      %get3A_187 = tpu.vector_load %arg12[%get3A_185, %get3A_186] {strides = array<i32>} : memref<64x768xf32, #tpu.memory_space<vmem>>, vector<16xf32>,
      %mul3A_188 = arith.mulf %gather3A, %get3A_187 : vector<16xf32>
      %get3A_189 = arith.index_cast %add3A_29 : i32 to index
      %get3A_190 = arith.constant 208 : index
      %get3A_191 = tpu.vector_load %arg13[%get3A_189, %get3A_190] {strides = array<i32>} : memref<64x768xf32, #tpu.memory_space<vmem>>, vector<16xf32>,
      %mul3A_192 = arith.mulf %gather3A_30, %get3A_191 : vector<16xf32>
      %add3A_193 = arith.addf %mul3A_188, %mul3A_192 : vector<16xf32>
      %swap3A_194 = arith.index_cast %add3A_29 : i32 to index
      %swap3A_195 = arith.constant 208 : index
      %swap3A_196 = tpu.vector_load %arg12[%swap3A_194, %swap3A_195] {strides = array<i32>} : memref<64x768xf32, #tpu.memory_space<vmem>>, vector<16xf32>,
      tpu.vector_store %arg12[%swap3A_194, %swap3A_195], %add3A_193 {strides = array<i32>} : memref<64x768xf32, #tpu.memory_space<vmem>>, vector<16xf32>,
      %get3A_197 = arith.index_cast %add3A_29 : i32 to index
      %get3A_198 = arith.constant 224 : index
      %get3A_199 = tpu.vector_load %arg12[%get3A_197, %get3A_198] {strides = array<i32>} : memref<64x768xf32, #tpu.memory_space<vmem>>, vector<16xf32>,
      %mul3A_200 = arith.mulf %gather3A, %get3A_199 : vector<16xf32>
      %get3A_201 = arith.index_cast %add3A_29 : i32 to index
      %get3A_202 = arith.constant 224 : index
      %get3A_203 = tpu.vector_load %arg13[%get3A_201, %get3A_202] {strides = array<i32>} : memref<64x768xf32, #tpu.memory_space<vmem>>, vector<16xf32>,
      %mul3A_204 = arith.mulf %gather3A_30, %get3A_203 : vector<16xf32>
      %add3A_205 = arith.addf %mul3A_200, %mul3A_204 : vector<16xf32>
      %swap3A_206 = arith.index_cast %add3A_29 : i32 to index
      %swap3A_207 = arith.constant 224 : index
      %swap3A_208 = tpu.vector_load %arg12[%swap3A_206, %swap3A_207] {strides = array<i32>} : memref<64x768xf32, #tpu.memory_space<vmem>>, vector<16xf32>,
      tpu.vector_store %arg12[%swap3A_206, %swap3A_207], %add3A_205 {strides = array<i32>} : memref<64x768xf32, #tpu.memory_space<vmem>>, vector<16xf32>,
      %get3A_209 = arith.index_cast %add3A_29 : i32 to index
      %get3A_210 = arith.constant 240 : index
      %get3A_211 = tpu.vector_load %arg12[%get3A_209, %get3A_210] {strides = array<i32>} : memref<64x768xf32, #tpu.memory_space<vmem>>, vector<16xf32>,
      %mul3A_212 = arith.mulf %gather3A, %get3A_211 : vector<16xf32>
      %get3A_213 = arith.index_cast %add3A_29 : i32 to index
      %get3A_214 = arith.constant 240 : index
      %get3A_215 = tpu.vector_load %arg13[%get3A_213, %get3A_214] {strides = array<i32>} : memref<64x768xf32, #tpu.memory_space<vmem>>, vector<16xf32>,
      %mul3A_216 = arith.mulf %gather3A_30, %get3A_215 : vector<16xf32>
      %add3A_217 = arith.addf %mul3A_212, %mul3A_216 : vector<16xf32>
      %swap3A_218 = arith.index_cast %add3A_29 : i32 to index
      %swap3A_219 = arith.constant 240 : index
      %swap3A_220 = tpu.vector_load %arg12[%swap3A_218, %swap3A_219] {strides = array<i32>} : memref<64x768xf32, #tpu.memory_space<vmem>>, vector<16xf32>,
      tpu.vector_store %arg12[%swap3A_218, %swap3A_219], %add3A_217 {strides = array<i32>} : memref<64x768xf32, #tpu.memory_space<vmem>>, vector<16xf32>,
      %get3A_221 = arith.index_cast %add3A_29 : i32 to index
      %get3A_222 = arith.constant 256 : index
      %get3A_223 = tpu.vector_load %arg12[%get3A_221, %get3A_222] {strides = array<i32>} : memref<64x768xf32, #tpu.memory_space<vmem>>, vector<16xf32>,
      %mul3A_224 = arith.mulf %gather3A, %get3A_223 : vector<16xf32>
      %get3A_225 = arith.index_cast %add3A_29 : i32 to index
      %get3A_226 = arith.constant 256 : index
      %get3A_227 = tpu.vector_load %arg13[%get3A_225, %get3A_226] {strides = array<i32>} : memref<64x768xf32, #tpu.memory_space<vmem>>, vector<16xf32>,
      %mul3A_228 = arith.mulf %gather3A_30, %get3A_227 : vector<16xf32>
      %add3A_229 = arith.addf %mul3A_224, %mul3A_228 : vector<16xf32>
      %swap3A_230 = arith.index_cast %add3A_29 : i32 to index
      %swap3A_231 = arith.constant 256 : index
      %swap3A_232 = tpu.vector_load %arg12[%swap3A_230, %swap3A_231] {strides = array<i32>} : memref<64x768xf32, #tpu.memory_space<vmem>>, vector<16xf32>,
      tpu.vector_store %arg12[%swap3A_230, %swap3A_231], %add3A_229 {strides = array<i32>} : memref<64x768xf32, #tpu.memory_space<vmem>>, vector<16xf32>,
      %get3A_233 = arith.index_cast %add3A_29 : i32 to index
      %get3A_234 = arith.constant 272 : index
      %get3A_235 = tpu.vector_load %arg12[%get3A_233, %get3A_234] {strides = array<i32>} : memref<64x768xf32, #tpu.memory_space<vmem>>, vector<16xf32>,
      %mul3A_236 = arith.mulf %gather3A, %get3A_235 : vector<16xf32>
      %get3A_237 = arith.index_cast %add3A_29 : i32 to index
      %get3A_238 = arith.constant 272 : index
      %get3A_239 = tpu.vector_load %arg13[%get3A_237, %get3A_238] {strides = array<i32>} : memref<64x768xf32, #tpu.memory_space<vmem>>, vector<16xf32>,
      %mul3A_240 = arith.mulf %gather3A_30, %get3A_239 : vector<16xf32>
      %add3A_241 = arith.addf %mul3A_236, %mul3A_240 : vector<16xf32>
      %swap3A_242 = arith.index_cast %add3A_29 : i32 to index
      %swap3A_243 = arith.constant 272 : index
      %swap3A_244 = tpu.vector_load %arg12[%swap3A_242, %swap3A_243] {strides = array<i32>} : memref<64x768xf32, #tpu.memory_space<vmem>>, vector<16xf32>,
      tpu.vector_store %arg12[%swap3A_242, %swap3A_243], %add3A_241 {strides = array<i32>} : memref<64x768xf32, #tpu.memory_space<vmem>>, vector<16xf32>,
      %get3A_245 = arith.index_cast %add3A_29 : i32 to index
      %get3A_246 = arith.constant 288 : index
      %get3A_247 = tpu.vector_load %arg12[%get3A_245, %get3A_246] {strides = array<i32>} : memref<64x768xf32, #tpu.memory_space<vmem>>, vector<16xf32>,
      %mul3A_248 = arith.mulf %gather3A, %get3A_247 : vector<16xf32>
      %get3A_249 = arith.index_cast %add3A_29 : i32 to index
      %get3A_250 = arith.constant 288 : index
      %get3A_251 = tpu.vector_load %arg13[%get3A_249, %get3A_250] {strides = array<i32>} : memref<64x768xf32, #tpu.memory_space<vmem>>, vector<16xf32>,
      %mul3A_252 = arith.mulf %gather3A_30, %get3A_251 : vector<16xf32>
      %add3A_253 = arith.addf %mul3A_248, %mul3A_252 : vector<16xf32>
      %swap3A_254 = arith.index_cast %add3A_29 : i32 to index
      %swap3A_255 = arith.constant 288 : index
      %swap3A_256 = tpu.vector_load %arg12[%swap3A_254, %swap3A_255] {strides = array<i32>} : memref<64x768xf32, #tpu.memory_space<vmem>>, vector<16xf32>,
      tpu.vector_store %arg12[%swap3A_254, %swap3A_255], %add3A_253 {strides = array<i32>} : memref<64x768xf32, #tpu.memory_space<vmem>>, vector<16xf32>,
      %get3A_257 = arith.index_cast %add3A_29 : i32 to index
      %get3A_258 = arith.constant 304 : index
      %get3A_259 = tpu.vector_load %arg12[%get3A_257, %get3A_258] {strides = array<i32>} : memref<64x768xf32, #tpu.memory_space<vmem>>, vector<16xf32>,
      %mul3A_260 = arith.mulf %gather3A, %get3A_259 : vector<16xf32>
      %get3A_261 = arith.index_cast %add3A_29 : i32 to index
      %get3A_262 = arith.constant 304 : index
      %get3A_263 = tpu.vector_load %arg13[%get3A_261, %get3A_262] {strides = array<i32>} : memref<64x768xf32, #tpu.memory_space<vmem>>, vector<16xf32>,
      %mul3A_264 = arith.mulf %gather3A_30, %get3A_263 : vector<16xf32>
      %add3A_265 = arith.addf %mul3A_260, %mul3A_264 : vector<16xf32>
      %swap3A_266 = arith.index_cast %add3A_29 : i32 to index
      %swap3A_267 = arith.constant 304 : index
      %swap3A_268 = tpu.vector_load %arg12[%swap3A_266, %swap3A_267] {strides = array<i32>} : memref<64x768xf32, #tpu.memory_space<vmem>>, vector<16xf32>,
      tpu.vector_store %arg12[%swap3A_266, %swap3A_267], %add3A_265 {strides = array<i32>} : memref<64x768xf32, #tpu.memory_space<vmem>>, vector<16xf32>,
      %get3A_269 = arith.index_cast %add3A_29 : i32 to index
      %get3A_270 = arith.constant 320 : index
      %get3A_271 = tpu.vector_load %arg12[%get3A_269, %get3A_270] {strides = array<i32>} : memref<64x768xf32, #tpu.memory_space<vmem>>, vector<16xf32>,
      %mul3A_272 = arith.mulf %gather3A, %get3A_271 : vector<16xf32>
      %get3A_273 = arith.index_cast %add3A_29 : i32 to index
      %get3A_274 = arith.constant 320 : index
      %get3A_275 = tpu.vector_load %arg13[%get3A_273, %get3A_274] {strides = array<i32>} : memref<64x768xf32, #tpu.memory_space<vmem>>, vector<16xf32>,
      %mul3A_276 = arith.mulf %gather3A_30, %get3A_275 : vector<16xf32>
      %add3A_277 = arith.addf %mul3A_272, %mul3A_276 : vector<16xf32>
      %swap3A_278 = arith.index_cast %add3A_29 : i32 to index
      %swap3A_279 = arith.constant 320 : index
      %swap3A_280 = tpu.vector_load %arg12[%swap3A_278, %swap3A_279] {strides = array<i32>} : memref<64x768xf32, #tpu.memory_space<vmem>>, vector<16xf32>,
      tpu.vector_store %arg12[%swap3A_278, %swap3A_279], %add3A_277 {strides = array<i32>} : memref<64x768xf32, #tpu.memory_space<vmem>>, vector<16xf32>,
      %get3A_281 = arith.index_cast %add3A_29 : i32 to index
      %get3A_282 = arith.constant 336 : index
      %get3A_283 = tpu.vector_load %arg12[%get3A_281, %get3A_282] {strides = array<i32>} : memref<64x768xf32, #tpu.memory_space<vmem>>, vector<16xf32>,
      %mul3A_284 = arith.mulf %gather3A, %get3A_283 : vector<16xf32>
      %get3A_285 = arith.index_cast %add3A_29 : i32 to index
      %get3A_286 = arith.constant 336 : index
      %get3A_287 = tpu.vector_load %arg13[%get3A_285, %get3A_286] {strides = array<i32>} : memref<64x768xf32, #tpu.memory_space<vmem>>, vector<16xf32>,
      %mul3A_288 = arith.mulf %gather3A_30, %get3A_287 : vector<16xf32>
      %add3A_289 = arith.addf %mul3A_284, %mul3A_288 : vector<16xf32>
      %swap3A_290 = arith.index_cast %add3A_29 : i32 to index
      %swap3A_291 = arith.constant 336 : index
      %swap3A_292 = tpu.vector_load %arg12[%swap3A_290, %swap3A_291] {strides = array<i32>} : memref<64x768xf32, #tpu.memory_space<vmem>>, vector<16xf32>,
      tpu.vector_store %arg12[%swap3A_290, %swap3A_291], %add3A_289 {strides = array<i32>} : memref<64x768xf32, #tpu.memory_space<vmem>>, vector<16xf32>,
      %get3A_293 = arith.index_cast %add3A_29 : i32 to index
      %get3A_294 = arith.constant 352 : index
      %get3A_295 = tpu.vector_load %arg12[%get3A_293, %get3A_294] {strides = array<i32>} : memref<64x768xf32, #tpu.memory_space<vmem>>, vector<16xf32>,
      %mul3A_296 = arith.mulf %gather3A, %get3A_295 : vector<16xf32>
      %get3A_297 = arith.index_cast %add3A_29 : i32 to index
      %get3A_298 = arith.constant 352 : index
      %get3A_299 = tpu.vector_load %arg13[%get3A_297, %get3A_298] {strides = array<i32>} : memref<64x768xf32, #tpu.memory_space<vmem>>, vector<16xf32>,
      %mul3A_300 = arith.mulf %gather3A_30, %get3A_299 : vector<16xf32>
      %add3A_301 = arith.addf %mul3A_296, %mul3A_300 : vector<16xf32>
      %swap3A_302 = arith.index_cast %add3A_29 : i32 to index
      %swap3A_303 = arith.constant 352 : index
      %swap3A_304 = tpu.vector_load %arg12[%swap3A_302, %swap3A_303] {strides = array<i32>} : memref<64x768xf32, #tpu.memory_space<vmem>>, vector<16xf32>,
      tpu.vector_store %arg12[%swap3A_302, %swap3A_303], %add3A_301 {strides = array<i32>} : memref<64x768xf32, #tpu.memory_space<vmem>>, vector<16xf32>,
      %get3A_305 = arith.index_cast %add3A_29 : i32 to index
      %get3A_306 = arith.constant 368 : index
      %get3A_307 = tpu.vector_load %arg12[%get3A_305, %get3A_306] {strides = array<i32>} : memref<64x768xf32, #tpu.memory_space<vmem>>, vector<16xf32>,
      %mul3A_308 = arith.mulf %gather3A, %get3A_307 : vector<16xf32>
      %get3A_309 = arith.index_cast %add3A_29 : i32 to index
      %get3A_310 = arith.constant 368 : index
      %get3A_311 = tpu.vector_load %arg13[%get3A_309, %get3A_310] {strides = array<i32>} : memref<64x768xf32, #tpu.memory_space<vmem>>, vector<16xf32>,
      %mul3A_312 = arith.mulf %gather3A_30, %get3A_311 : vector<16xf32>
      %add3A_313 = arith.addf %mul3A_308, %mul3A_312 : vector<16xf32>
      %swap3A_314 = arith.index_cast %add3A_29 : i32 to index
      %swap3A_315 = arith.constant 368 : index
      %swap3A_316 = tpu.vector_load %arg12[%swap3A_314, %swap3A_315] {strides = array<i32>} : memref<64x768xf32, #tpu.memory_space<vmem>>, vector<16xf32>,
      tpu.vector_store %arg12[%swap3A_314, %swap3A_315], %add3A_313 {strides = array<i32>} : memref<64x768xf32, #tpu.memory_space<vmem>>, vector<16xf32>,
      %get3A_317 = arith.index_cast %add3A_29 : i32 to index
      %get3A_318 = arith.constant 384 : index
      %get3A_319 = tpu.vector_load %arg12[%get3A_317, %get3A_318] {strides = array<i32>} : memref<64x768xf32, #tpu.memory_space<vmem>>, vector<16xf32>,
      %mul3A_320 = arith.mulf %gather3A, %get3A_319 : vector<16xf32>
      %get3A_321 = arith.index_cast %add3A_29 : i32 to index
      %get3A_322 = arith.constant 384 : index
      %get3A_323 = tpu.vector_load %arg13[%get3A_321, %get3A_322] {strides = array<i32>} : memref<64x768xf32, #tpu.memory_space<vmem>>, vector<16xf32>,
      %mul3A_324 = arith.mulf %gather3A_30, %get3A_323 : vector<16xf32>
      %add3A_325 = arith.addf %mul3A_320, %mul3A_324 : vector<16xf32>
      %swap3A_326 = arith.index_cast %add3A_29 : i32 to index
      %swap3A_327 = arith.constant 384 : index
      %swap3A_328 = tpu.vector_load %arg12[%swap3A_326, %swap3A_327] {strides = array<i32>} : memref<64x768xf32, #tpu.memory_space<vmem>>, vector<16xf32>,
      tpu.vector_store %arg12[%swap3A_326, %swap3A_327], %add3A_325 {strides = array<i32>} : memref<64x768xf32, #tpu.memory_space<vmem>>, vector<16xf32>,
      %get3A_329 = arith.index_cast %add3A_29 : i32 to index
      %get3A_330 = arith.constant 400 : index
      %get3A_331 = tpu.vector_load %arg12[%get3A_329, %get3A_330] {strides = array<i32>} : memref<64x768xf32, #tpu.memory_space<vmem>>, vector<16xf32>,
      %mul3A_332 = arith.mulf %gather3A, %get3A_331 : vector<16xf32>
      %get3A_333 = arith.index_cast %add3A_29 : i32 to index
      %get3A_334 = arith.constant 400 : index
      %get3A_335 = tpu.vector_load %arg13[%get3A_333, %get3A_334] {strides = array<i32>} : memref<64x768xf32, #tpu.memory_space<vmem>>, vector<16xf32>,
      %mul3A_336 = arith.mulf %gather3A_30, %get3A_335 : vector<16xf32>
      %add3A_337 = arith.addf %mul3A_332, %mul3A_336 : vector<16xf32>
      %swap3A_338 = arith.index_cast %add3A_29 : i32 to index
      %swap3A_339 = arith.constant 400 : index
      %swap3A_340 = tpu.vector_load %arg12[%swap3A_338, %swap3A_339] {strides = array<i32>} : memref<64x768xf32, #tpu.memory_space<vmem>>, vector<16xf32>,
      tpu.vector_store %arg12[%swap3A_338, %swap3A_339], %add3A_337 {strides = array<i32>} : memref<64x768xf32, #tpu.memory_space<vmem>>, vector<16xf32>,
      %get3A_341 = arith.index_cast %add3A_29 : i32 to index
      %get3A_342 = arith.constant 416 : index
      %get3A_343 = tpu.vector_load %arg12[%get3A_341, %get3A_342] {strides = array<i32>} : memref<64x768xf32, #tpu.memory_space<vmem>>, vector<16xf32>,
      %mul3A_344 = arith.mulf %gather3A, %get3A_343 : vector<16xf32>
      %get3A_345 = arith.index_cast %add3A_29 : i32 to index
      %get3A_346 = arith.constant 416 : index
      %get3A_347 = tpu.vector_load %arg13[%get3A_345, %get3A_346] {strides = array<i32>} : memref<64x768xf32, #tpu.memory_space<vmem>>, vector<16xf32>,
      %mul3A_348 = arith.mulf %gather3A_30, %get3A_347 : vector<16xf32>
      %add3A_349 = arith.addf %mul3A_344, %mul3A_348 : vector<16xf32>
      %swap3A_350 = arith.index_cast %add3A_29 : i32 to index
      %swap3A_351 = arith.constant 416 : index
      %swap3A_352 = tpu.vector_load %arg12[%swap3A_350, %swap3A_351] {strides = array<i32>} : memref<64x768xf32, #tpu.memory_space<vmem>>, vector<16xf32>,
      tpu.vector_store %arg12[%swap3A_350, %swap3A_351], %add3A_349 {strides = array<i32>} : memref<64x768xf32, #tpu.memory_space<vmem>>, vector<16xf32>,
      %get3A_353 = arith.index_cast %add3A_29 : i32 to index
      %get3A_354 = arith.constant 432 : index
      %get3A_355 = tpu.vector_load %arg12[%get3A_353, %get3A_354] {strides = array<i32>} : memref<64x768xf32, #tpu.memory_space<vmem>>, vector<16xf32>,
      %mul3A_356 = arith.mulf %gather3A, %get3A_355 : vector<16xf32>
      %get3A_357 = arith.index_cast %add3A_29 : i32 to index
      %get3A_358 = arith.constant 432 : index
      %get3A_359 = tpu.vector_load %arg13[%get3A_357, %get3A_358] {strides = array<i32>} : memref<64x768xf32, #tpu.memory_space<vmem>>, vector<16xf32>,
      %mul3A_360 = arith.mulf %gather3A_30, %get3A_359 : vector<16xf32>
      %add3A_361 = arith.addf %mul3A_356, %mul3A_360 : vector<16xf32>
      %swap3A_362 = arith.index_cast %add3A_29 : i32 to index
      %swap3A_363 = arith.constant 432 : index
      %swap3A_364 = tpu.vector_load %arg12[%swap3A_362, %swap3A_363] {strides = array<i32>} : memref<64x768xf32, #tpu.memory_space<vmem>>, vector<16xf32>,
      tpu.vector_store %arg12[%swap3A_362, %swap3A_363], %add3A_361 {strides = array<i32>} : memref<64x768xf32, #tpu.memory_space<vmem>>, vector<16xf32>,
      %get3A_365 = arith.index_cast %add3A_29 : i32 to index
      %get3A_366 = arith.constant 448 : index
      %get3A_367 = tpu.vector_load %arg12[%get3A_365, %get3A_366] {strides = array<i32>} : memref<64x768xf32, #tpu.memory_space<vmem>>, vector<16xf32>,
      %mul3A_368 = arith.mulf %gather3A, %get3A_367 : vector<16xf32>
      %get3A_369 = arith.index_cast %add3A_29 : i32 to index
      %get3A_370 = arith.constant 448 : index
      %get3A_371 = tpu.vector_load %arg13[%get3A_369, %get3A_370] {strides = array<i32>} : memref<64x768xf32, #tpu.memory_space<vmem>>, vector<16xf32>,
      %mul3A_372 = arith.mulf %gather3A_30, %get3A_371 : vector<16xf32>
      %add3A_373 = arith.addf %mul3A_368, %mul3A_372 : vector<16xf32>
      %swap3A_374 = arith.index_cast %add3A_29 : i32 to index
      %swap3A_375 = arith.constant 448 : index
      %swap3A_376 = tpu.vector_load %arg12[%swap3A_374, %swap3A_375] {strides = array<i32>} : memref<64x768xf32, #tpu.memory_space<vmem>>, vector<16xf32>,
      tpu.vector_store %arg12[%swap3A_374, %swap3A_375], %add3A_373 {strides = array<i32>} : memref<64x768xf32, #tpu.memory_space<vmem>>, vector<16xf32>,
      %get3A_377 = arith.index_cast %add3A_29 : i32 to index
      %get3A_378 = arith.constant 464 : index
      %get3A_379 = tpu.vector_load %arg12[%get3A_377, %get3A_378] {strides = array<i32>} : memref<64x768xf32, #tpu.memory_space<vmem>>, vector<16xf32>,
      %mul3A_380 = arith.mulf %gather3A, %get3A_379 : vector<16xf32>
      %get3A_381 = arith.index_cast %add3A_29 : i32 to index
      %get3A_382 = arith.constant 464 : index
      %get3A_383 = tpu.vector_load %arg13[%get3A_381, %get3A_382] {strides = array<i32>} : memref<64x768xf32, #tpu.memory_space<vmem>>, vector<16xf32>,
      %mul3A_384 = arith.mulf %gather3A_30, %get3A_383 : vector<16xf32>
      %add3A_385 = arith.addf %mul3A_380, %mul3A_384 : vector<16xf32>
      %swap3A_386 = arith.index_cast %add3A_29 : i32 to index
      %swap3A_387 = arith.constant 464 : index
      %swap3A_388 = tpu.vector_load %arg12[%swap3A_386, %swap3A_387] {strides = array<i32>} : memref<64x768xf32, #tpu.memory_space<vmem>>, vector<16xf32>,
      tpu.vector_store %arg12[%swap3A_386, %swap3A_387], %add3A_385 {strides = array<i32>} : memref<64x768xf32, #tpu.memory_space<vmem>>, vector<16xf32>,
      %get3A_389 = arith.index_cast %add3A_29 : i32 to index
      %get3A_390 = arith.constant 480 : index
      %get3A_391 = tpu.vector_load %arg12[%get3A_389, %get3A_390] {strides = array<i32>} : memref<64x768xf32, #tpu.memory_space<vmem>>, vector<16xf32>,
      %mul3A_392 = arith.mulf %gather3A, %get3A_391 : vector<16xf32>
      %get3A_393 = arith.index_cast %add3A_29 : i32 to index
      %get3A_394 = arith.constant 480 : index
      %get3A_395 = tpu.vector_load %arg13[%get3A_393, %get3A_394] {strides = array<i32>} : memref<64x768xf32, #tpu.memory_space<vmem>>, vector<16xf32>,
      %mul3A_396 = arith.mulf %gather3A_30, %get3A_395 : vector<16xf32>
      %add3A_397 = arith.addf %mul3A_392, %mul3A_396 : vector<16xf32>
      %swap3A_398 = arith.index_cast %add3A_29 : i32 to index
      %swap3A_399 = arith.constant 480 : index
      %swap3A_400 = tpu.vector_load %arg12[%swap3A_398, %swap3A_399] {strides = array<i32>} : memref<64x768xf32, #tpu.memory_space<vmem>>, vector<16xf32>,
      tpu.vector_store %arg12[%swap3A_398, %swap3A_399], %add3A_397 {strides = array<i32>} : memref<64x768xf32, #tpu.memory_space<vmem>>, vector<16xf32>,
      %get3A_401 = arith.index_cast %add3A_29 : i32 to index
      %get3A_402 = arith.constant 496 : index
      %get3A_403 = tpu.vector_load %arg12[%get3A_401, %get3A_402] {strides = array<i32>} : memref<64x768xf32, #tpu.memory_space<vmem>>, vector<16xf32>,
      %mul3A_404 = arith.mulf %gather3A, %get3A_403 : vector<16xf32>
      %get3A_405 = arith.index_cast %add3A_29 : i32 to index
      %get3A_406 = arith.constant 496 : index
      %get3A_407 = tpu.vector_load %arg13[%get3A_405, %get3A_406] {strides = array<i32>} : memref<64x768xf32, #tpu.memory_space<vmem>>, vector<16xf32>,
      %mul3A_408 = arith.mulf %gather3A_30, %get3A_407 : vector<16xf32>
      %add3A_409 = arith.addf %mul3A_404, %mul3A_408 : vector<16xf32>
      %swap3A_410 = arith.index_cast %add3A_29 : i32 to index
      %swap3A_411 = arith.constant 496 : index
      %swap3A_412 = tpu.vector_load %arg12[%swap3A_410, %swap3A_411] {strides = array<i32>} : memref<64x768xf32, #tpu.memory_space<vmem>>, vector<16xf32>,
      tpu.vector_store %arg12[%swap3A_410, %swap3A_411], %add3A_409 {strides = array<i32>} : memref<64x768xf32, #tpu.memory_space<vmem>>, vector<16xf32>,
      %get3A_413 = arith.index_cast %add3A_29 : i32 to index
      %get3A_414 = arith.constant 512 : index
      %get3A_415 = tpu.vector_load %arg12[%get3A_413, %get3A_414] {strides = array<i32>} : memref<64x768xf32, #tpu.memory_space<vmem>>, vector<16xf32>,
      %mul3A_416 = arith.mulf %gather3A, %get3A_415 : vector<16xf32>
      %get3A_417 = arith.index_cast %add3A_29 : i32 to index
      %get3A_418 = arith.constant 512 : index
      %get3A_419 = tpu.vector_load %arg13[%get3A_417, %get3A_418] {strides = array<i32>} : memref<64x768xf32, #tpu.memory_space<vmem>>, vector<16xf32>,
      %mul3A_420 = arith.mulf %gather3A_30, %get3A_419 : vector<16xf32>
      %add3A_421 = arith.addf %mul3A_416, %mul3A_420 : vector<16xf32>
      %swap3A_422 = arith.index_cast %add3A_29 : i32 to index
      %swap3A_423 = arith.constant 512 : index
      %swap3A_424 = tpu.vector_load %arg12[%swap3A_422, %swap3A_423] {strides = array<i32>} : memref<64x768xf32, #tpu.memory_space<vmem>>, vector<16xf32>,
      tpu.vector_store %arg12[%swap3A_422, %swap3A_423], %add3A_421 {strides = array<i32>} : memref<64x768xf32, #tpu.memory_space<vmem>>, vector<16xf32>,
      %get3A_425 = arith.index_cast %add3A_29 : i32 to index
      %get3A_426 = arith.constant 528 : index
      %get3A_427 = tpu.vector_load %arg12[%get3A_425, %get3A_426] {strides = array<i32>} : memref<64x768xf32, #tpu.memory_space<vmem>>, vector<16xf32>,
      %mul3A_428 = arith.mulf %gather3A, %get3A_427 : vector<16xf32>
      %get3A_429 = arith.index_cast %add3A_29 : i32 to index
      %get3A_430 = arith.constant 528 : index
      %get3A_431 = tpu.vector_load %arg13[%get3A_429, %get3A_430] {strides = array<i32>} : memref<64x768xf32, #tpu.memory_space<vmem>>, vector<16xf32>,
      %mul3A_432 = arith.mulf %gather3A_30, %get3A_431 : vector<16xf32>
      %add3A_433 = arith.addf %mul3A_428, %mul3A_432 : vector<16xf32>
      %swap3A_434 = arith.index_cast %add3A_29 : i32 to index
      %swap3A_435 = arith.constant 528 : index
      %swap3A_436 = tpu.vector_load %arg12[%swap3A_434, %swap3A_435] {strides = array<i32>} : memref<64x768xf32, #tpu.memory_space<vmem>>, vector<16xf32>,
      tpu.vector_store %arg12[%swap3A_434, %swap3A_435], %add3A_433 {strides = array<i32>} : memref<64x768xf32, #tpu.memory_space<vmem>>, vector<16xf32>,
      %get3A_437 = arith.index_cast %add3A_29 : i32 to index
      %get3A_438 = arith.constant 544 : index
      %get3A_439 = tpu.vector_load %arg12[%get3A_437, %get3A_438] {strides = array<i32>} : memref<64x768xf32, #tpu.memory_space<vmem>>, vector<16xf32>,
      %mul3A_440 = arith.mulf %gather3A, %get3A_439 : vector<16xf32>
      %get3A_441 = arith.index_cast %add3A_29 : i32 to index
      %get3A_442 = arith.constant 544 : index
      %get3A_443 = tpu.vector_load %arg13[%get3A_441, %get3A_442] {strides = array<i32>} : memref<64x768xf32, #tpu.memory_space<vmem>>, vector<16xf32>,
      %mul3A_444 = arith.mulf %gather3A_30, %get3A_443 : vector<16xf32>
      %add3A_445 = arith.addf %mul3A_440, %mul3A_444 : vector<16xf32>
      %swap3A_446 = arith.index_cast %add3A_29 : i32 to index
      %swap3A_447 = arith.constant 544 : index
      %swap3A_448 = tpu.vector_load %arg12[%swap3A_446, %swap3A_447] {strides = array<i32>} : memref<64x768xf32, #tpu.memory_space<vmem>>, vector<16xf32>,
      tpu.vector_store %arg12[%swap3A_446, %swap3A_447], %add3A_445 {strides = array<i32>} : memref<64x768xf32, #tpu.memory_space<vmem>>, vector<16xf32>,
      %get3A_449 = arith.index_cast %add3A_29 : i32 to index
      %get3A_450 = arith.constant 560 : index
      %get3A_451 = tpu.vector_load %arg12[%get3A_449, %get3A_450] {strides = array<i32>} : memref<64x768xf32, #tpu.memory_space<vmem>>, vector<16xf32>,
      %mul3A_452 = arith.mulf %gather3A, %get3A_451 : vector<16xf32>
      %get3A_453 = arith.index_cast %add3A_29 : i32 to index
      %get3A_454 = arith.constant 560 : index
      %get3A_455 = tpu.vector_load %arg13[%get3A_453, %get3A_454] {strides = array<i32>} : memref<64x768xf32, #tpu.memory_space<vmem>>, vector<16xf32>,
      %mul3A_456 = arith.mulf %gather3A_30, %get3A_455 : vector<16xf32>
      %add3A_457 = arith.addf %mul3A_452, %mul3A_456 : vector<16xf32>
      %swap3A_458 = arith.index_cast %add3A_29 : i32 to index
      %swap3A_459 = arith.constant 560 : index
      %swap3A_460 = tpu.vector_load %arg12[%swap3A_458, %swap3A_459] {strides = array<i32>} : memref<64x768xf32, #tpu.memory_space<vmem>>, vector<16xf32>,
      tpu.vector_store %arg12[%swap3A_458, %swap3A_459], %add3A_457 {strides = array<i32>} : memref<64x768xf32, #tpu.memory_space<vmem>>, vector<16xf32>,
      %get3A_461 = arith.index_cast %add3A_29 : i32 to index
      %get3A_462 = arith.constant 576 : index
      %get3A_463 = tpu.vector_load %arg12[%get3A_461, %get3A_462] {strides = array<i32>} : memref<64x768xf32, #tpu.memory_space<vmem>>, vector<16xf32>,
      %mul3A_464 = arith.mulf %gather3A, %get3A_463 : vector<16xf32>
      %get3A_465 = arith.index_cast %add3A_29 : i32 to index
      %get3A_466 = arith.constant 576 : index
      %get3A_467 = tpu.vector_load %arg13[%get3A_465, %get3A_466] {strides = array<i32>} : memref<64x768xf32, #tpu.memory_space<vmem>>, vector<16xf32>,
      %mul3A_468 = arith.mulf %gather3A_30, %get3A_467 : vector<16xf32>
      %add3A_469 = arith.addf %mul3A_464, %mul3A_468 : vector<16xf32>
      %swap3A_470 = arith.index_cast %add3A_29 : i32 to index
      %swap3A_471 = arith.constant 576 : index
      %swap3A_472 = tpu.vector_load %arg12[%swap3A_470, %swap3A_471] {strides = array<i32>} : memref<64x768xf32, #tpu.memory_space<vmem>>, vector<16xf32>,
      tpu.vector_store %arg12[%swap3A_470, %swap3A_471], %add3A_469 {strides = array<i32>} : memref<64x768xf32, #tpu.memory_space<vmem>>, vector<16xf32>,
      %get3A_473 = arith.index_cast %add3A_29 : i32 to index
      %get3A_474 = arith.constant 592 : index
      %get3A_475 = tpu.vector_load %arg12[%get3A_473, %get3A_474] {strides = array<i32>} : memref<64x768xf32, #tpu.memory_space<vmem>>, vector<16xf32>,
      %mul3A_476 = arith.mulf %gather3A, %get3A_475 : vector<16xf32>
      %get3A_477 = arith.index_cast %add3A_29 : i32 to index
      %get3A_478 = arith.constant 592 : index
      %get3A_479 = tpu.vector_load %arg13[%get3A_477, %get3A_478] {strides = array<i32>} : memref<64x768xf32, #tpu.memory_space<vmem>>, vector<16xf32>,
      %mul3A_480 = arith.mulf %gather3A_30, %get3A_479 : vector<16xf32>
      %add3A_481 = arith.addf %mul3A_476, %mul3A_480 : vector<16xf32>
      %swap3A_482 = arith.index_cast %add3A_29 : i32 to index
      %swap3A_483 = arith.constant 592 : index
      %swap3A_484 = tpu.vector_load %arg12[%swap3A_482, %swap3A_483] {strides = array<i32>} : memref<64x768xf32, #tpu.memory_space<vmem>>, vector<16xf32>,
      tpu.vector_store %arg12[%swap3A_482, %swap3A_483], %add3A_481 {strides = array<i32>} : memref<64x768xf32, #tpu.memory_space<vmem>>, vector<16xf32>,
      %get3A_485 = arith.index_cast %add3A_29 : i32 to index
      %get3A_486 = arith.constant 608 : index
      %get3A_487 = tpu.vector_load %arg12[%get3A_485, %get3A_486] {strides = array<i32>} : memref<64x768xf32, #tpu.memory_space<vmem>>, vector<16xf32>,
      %mul3A_488 = arith.mulf %gather3A, %get3A_487 : vector<16xf32>
      %get3A_489 = arith.index_cast %add3A_29 : i32 to index
      %get3A_490 = arith.constant 608 : index
      %get3A_491 = tpu.vector_load %arg13[%get3A_489, %get3A_490] {strides = array<i32>} : memref<64x768xf32, #tpu.memory_space<vmem>>, vector<16xf32>,
      %mul3A_492 = arith.mulf %gather3A_30, %get3A_491 : vector<16xf32>
      %add3A_493 = arith.addf %mul3A_488, %mul3A_492 : vector<16xf32>
      %swap3A_494 = arith.index_cast %add3A_29 : i32 to index
      %swap3A_495 = arith.constant 608 : index
      %swap3A_496 = tpu.vector_load %arg12[%swap3A_494, %swap3A_495] {strides = array<i32>} : memref<64x768xf32, #tpu.memory_space<vmem>>, vector<16xf32>,
      tpu.vector_store %arg12[%swap3A_494, %swap3A_495], %add3A_493 {strides = array<i32>} : memref<64x768xf32, #tpu.memory_space<vmem>>, vector<16xf32>,
      %get3A_497 = arith.index_cast %add3A_29 : i32 to index
      %get3A_498 = arith.constant 624 : index
      %get3A_499 = tpu.vector_load %arg12[%get3A_497, %get3A_498] {strides = array<i32>} : memref<64x768xf32, #tpu.memory_space<vmem>>, vector<16xf32>,
      %mul3A_500 = arith.mulf %gather3A, %get3A_499 : vector<16xf32>
      %get3A_501 = arith.index_cast %add3A_29 : i32 to index
      %get3A_502 = arith.constant 624 : index
      %get3A_503 = tpu.vector_load %arg13[%get3A_501, %get3A_502] {strides = array<i32>} : memref<64x768xf32, #tpu.memory_space<vmem>>, vector<16xf32>,
      %mul3A_504 = arith.mulf %gather3A_30, %get3A_503 : vector<16xf32>
      %add3A_505 = arith.addf %mul3A_500, %mul3A_504 : vector<16xf32>
      %swap3A_506 = arith.index_cast %add3A_29 : i32 to index
      %swap3A_507 = arith.constant 624 : index
      %swap3A_508 = tpu.vector_load %arg12[%swap3A_506, %swap3A_507] {strides = array<i32>} : memref<64x768xf32, #tpu.memory_space<vmem>>, vector<16xf32>,
      tpu.vector_store %arg12[%swap3A_506, %swap3A_507], %add3A_505 {strides = array<i32>} : memref<64x768xf32, #tpu.memory_space<vmem>>, vector<16xf32>,
      %get3A_509 = arith.index_cast %add3A_29 : i32 to index
      %get3A_510 = arith.constant 640 : index
      %get3A_511 = tpu.vector_load %arg12[%get3A_509, %get3A_510] {strides = array<i32>} : memref<64x768xf32, #tpu.memory_space<vmem>>, vector<16xf32>,
      %mul3A_512 = arith.mulf %gather3A, %get3A_511 : vector<16xf32>
      %get3A_513 = arith.index_cast %add3A_29 : i32 to index
      %get3A_514 = arith.constant 640 : index
      %get3A_515 = tpu.vector_load %arg13[%get3A_513, %get3A_514] {strides = array<i32>} : memref<64x768xf32, #tpu.memory_space<vmem>>, vector<16xf32>,
      %mul3A_516 = arith.mulf %gather3A_30, %get3A_515 : vector<16xf32>
      %add3A_517 = arith.addf %mul3A_512, %mul3A_516 : vector<16xf32>
      %swap3A_518 = arith.index_cast %add3A_29 : i32 to index
      %swap3A_519 = arith.constant 640 : index
      %swap3A_520 = tpu.vector_load %arg12[%swap3A_518, %swap3A_519] {strides = array<i32>} : memref<64x768xf32, #tpu.memory_space<vmem>>, vector<16xf32>,
      tpu.vector_store %arg12[%swap3A_518, %swap3A_519], %add3A_517 {strides = array<i32>} : memref<64x768xf32, #tpu.memory_space<vmem>>, vector<16xf32>,
      %get3A_521 = arith.index_cast %add3A_29 : i32 to index
      %get3A_522 = arith.constant 656 : index
      %get3A_523 = tpu.vector_load %arg12[%get3A_521, %get3A_522] {strides = array<i32>} : memref<64x768xf32, #tpu.memory_space<vmem>>, vector<16xf32>,
      %mul3A_524 = arith.mulf %gather3A, %get3A_523 : vector<16xf32>
      %get3A_525 = arith.index_cast %add3A_29 : i32 to index
      %get3A_526 = arith.constant 656 : index
      %get3A_527 = tpu.vector_load %arg13[%get3A_525, %get3A_526] {strides = array<i32>} : memref<64x768xf32, #tpu.memory_space<vmem>>, vector<16xf32>,
      %mul3A_528 = arith.mulf %gather3A_30, %get3A_527 : vector<16xf32>
      %add3A_529 = arith.addf %mul3A_524, %mul3A_528 : vector<16xf32>
      %swap3A_530 = arith.index_cast %add3A_29 : i32 to index
      %swap3A_531 = arith.constant 656 : index
      %swap3A_532 = tpu.vector_load %arg12[%swap3A_530, %swap3A_531] {strides = array<i32>} : memref<64x768xf32, #tpu.memory_space<vmem>>, vector<16xf32>,
      tpu.vector_store %arg12[%swap3A_530, %swap3A_531], %add3A_529 {strides = array<i32>} : memref<64x768xf32, #tpu.memory_space<vmem>>, vector<16xf32>,
      %get3A_533 = arith.index_cast %add3A_29 : i32 to index
      %get3A_534 = arith.constant 672 : index
      %get3A_535 = tpu.vector_load %arg12[%get3A_533, %get3A_534] {strides = array<i32>} : memref<64x768xf32, #tpu.memory_space<vmem>>, vector<16xf32>,
      %mul3A_536 = arith.mulf %gather3A, %get3A_535 : vector<16xf32>
      %get3A_537 = arith.index_cast %add3A_29 : i32 to index
      %get3A_538 = arith.constant 672 : index
      %get3A_539 = tpu.vector_load %arg13[%get3A_537, %get3A_538] {strides = array<i32>} : memref<64x768xf32, #tpu.memory_space<vmem>>, vector<16xf32>,
      %mul3A_540 = arith.mulf %gather3A_30, %get3A_539 : vector<16xf32>
      %add3A_541 = arith.addf %mul3A_536, %mul3A_540 : vector<16xf32>
      %swap3A_542 = arith.index_cast %add3A_29 : i32 to index
      %swap3A_543 = arith.constant 672 : index
      %swap3A_544 = tpu.vector_load %arg12[%swap3A_542, %swap3A_543] {strides = array<i32>} : memref<64x768xf32, #tpu.memory_space<vmem>>, vector<16xf32>,
      tpu.vector_store %arg12[%swap3A_542, %swap3A_543], %add3A_541 {strides = array<i32>} : memref<64x768xf32, #tpu.memory_space<vmem>>, vector<16xf32>,
      %get3A_545 = arith.index_cast %add3A_29 : i32 to index
      %get3A_546 = arith.constant 688 : index
      %get3A_547 = tpu.vector_load %arg12[%get3A_545, %get3A_546] {strides = array<i32>} : memref<64x768xf32, #tpu.memory_space<vmem>>, vector<16xf32>,
      %mul3A_548 = arith.mulf %gather3A, %get3A_547 : vector<16xf32>
      %get3A_549 = arith.index_cast %add3A_29 : i32 to index
      %get3A_550 = arith.constant 688 : index
      %get3A_551 = tpu.vector_load %arg13[%get3A_549, %get3A_550] {strides = array<i32>} : memref<64x768xf32, #tpu.memory_space<vmem>>, vector<16xf32>,
      %mul3A_552 = arith.mulf %gather3A_30, %get3A_551 : vector<16xf32>
      %add3A_553 = arith.addf %mul3A_548, %mul3A_552 : vector<16xf32>
      %swap3A_554 = arith.index_cast %add3A_29 : i32 to index
      %swap3A_555 = arith.constant 688 : index
      %swap3A_556 = tpu.vector_load %arg12[%swap3A_554, %swap3A_555] {strides = array<i32>} : memref<64x768xf32, #tpu.memory_space<vmem>>, vector<16xf32>,
      tpu.vector_store %arg12[%swap3A_554, %swap3A_555], %add3A_553 {strides = array<i32>} : memref<64x768xf32, #tpu.memory_space<vmem>>, vector<16xf32>,
      %get3A_557 = arith.index_cast %add3A_29 : i32 to index
      %get3A_558 = arith.constant 704 : index
      %get3A_559 = tpu.vector_load %arg12[%get3A_557, %get3A_558] {strides = array<i32>} : memref<64x768xf32, #tpu.memory_space<vmem>>, vector<16xf32>,
      %mul3A_560 = arith.mulf %gather3A, %get3A_559 : vector<16xf32>
      %get3A_561 = arith.index_cast %add3A_29 : i32 to index
      %get3A_562 = arith.constant 704 : index
      %get3A_563 = tpu.vector_load %arg13[%get3A_561, %get3A_562] {strides = array<i32>} : memref<64x768xf32, #tpu.memory_space<vmem>>, vector<16xf32>,
      %mul3A_564 = arith.mulf %gather3A_30, %get3A_563 : vector<16xf32>
      %add3A_565 = arith.addf %mul3A_560, %mul3A_564 : vector<16xf32>
      %swap3A_566 = arith.index_cast %add3A_29 : i32 to index
      %swap3A_567 = arith.constant 704 : index
      %swap3A_568 = tpu.vector_load %arg12[%swap3A_566, %swap3A_567] {strides = array<i32>} : memref<64x768xf32, #tpu.memory_space<vmem>>, vector<16xf32>,
      tpu.vector_store %arg12[%swap3A_566, %swap3A_567], %add3A_565 {strides = array<i32>} : memref<64x768xf32, #tpu.memory_space<vmem>>, vector<16xf32>,
      %get3A_569 = arith.index_cast %add3A_29 : i32 to index
      %get3A_570 = arith.constant 720 : index
      %get3A_571 = tpu.vector_load %arg12[%get3A_569, %get3A_570] {strides = array<i32>} : memref<64x768xf32, #tpu.memory_space<vmem>>, vector<16xf32>,
      %mul3A_572 = arith.mulf %gather3A, %get3A_571 : vector<16xf32>
      %get3A_573 = arith.index_cast %add3A_29 : i32 to index
      %get3A_574 = arith.constant 720 : index
      %get3A_575 = tpu.vector_load %arg13[%get3A_573, %get3A_574] {strides = array<i32>} : memref<64x768xf32, #tpu.memory_space<vmem>>, vector<16xf32>,
      %mul3A_576 = arith.mulf %gather3A_30, %get3A_575 : vector<16xf32>
      %add3A_577 = arith.addf %mul3A_572, %mul3A_576 : vector<16xf32>
      %swap3A_578 = arith.index_cast %add3A_29 : i32 to index
      %swap3A_579 = arith.constant 720 : index
      %swap3A_580 = tpu.vector_load %arg12[%swap3A_578, %swap3A_579] {strides = array<i32>} : memref<64x768xf32, #tpu.memory_space<vmem>>, vector<16xf32>,
      tpu.vector_store %arg12[%swap3A_578, %swap3A_579], %add3A_577 {strides = array<i32>} : memref<64x768xf32, #tpu.memory_space<vmem>>, vector<16xf32>,
      %get3A_581 = arith.index_cast %add3A_29 : i32 to index
      %get3A_582 = arith.constant 736 : index
      %get3A_583 = tpu.vector_load %arg12[%get3A_581, %get3A_582] {strides = array<i32>} : memref<64x768xf32, #tpu.memory_space<vmem>>, vector<16xf32>,
      %mul3A_584 = arith.mulf %gather3A, %get3A_583 : vector<16xf32>
      %get3A_585 = arith.index_cast %add3A_29 : i32 to index
      %get3A_586 = arith.constant 736 : index
      %get3A_587 = tpu.vector_load %arg13[%get3A_585, %get3A_586] {strides = array<i32>} : memref<64x768xf32, #tpu.memory_space<vmem>>, vector<16xf32>,
      %mul3A_588 = arith.mulf %gather3A_30, %get3A_587 : vector<16xf32>
      %add3A_589 = arith.addf %mul3A_584, %mul3A_588 : vector<16xf32>
      %swap3A_590 = arith.index_cast %add3A_29 : i32 to index
      %swap3A_591 = arith.constant 736 : index
      %swap3A_592 = tpu.vector_load %arg12[%swap3A_590, %swap3A_591] {strides = array<i32>} : memref<64x768xf32, #tpu.memory_space<vmem>>, vector<16xf32>,
      tpu.vector_store %arg12[%swap3A_590, %swap3A_591], %add3A_589 {strides = array<i32>} : memref<64x768xf32, #tpu.memory_space<vmem>>, vector<16xf32>,
      %get3A_593 = arith.index_cast %add3A_29 : i32 to index
      %get3A_594 = arith.constant 752 : index
      %get3A_595 = tpu.vector_load %arg12[%get3A_593, %get3A_594] {strides = array<i32>} : memref<64x768xf32, #tpu.memory_space<vmem>>, vector<16xf32>,
      %mul3A_596 = arith.mulf %gather3A, %get3A_595 : vector<16xf32>
      %get3A_597 = arith.index_cast %add3A_29 : i32 to index
      %get3A_598 = arith.constant 752 : index
      %get3A_599 = tpu.vector_load %arg13[%get3A_597, %get3A_598] {strides = array<i32>} : memref<64x768xf32, #tpu.memory_space<vmem>>, vector<16xf32>,
      %mul3A_600 = arith.mulf %gather3A_30, %get3A_599 : vector<16xf32>
      %add3A_601 = arith.addf %mul3A_596, %mul3A_600 : vector<16xf32>
      %swap3A_602 = arith.index_cast %add3A_29 : i32 to index
      %swap3A_603 = arith.constant 752 : index
      %swap3A_604 = tpu.vector_load %arg12[%swap3A_602, %swap3A_603] {strides = array<i32>} : memref<64x768xf32, #tpu.memory_space<vmem>>, vector<16xf32>,
      tpu.vector_store %arg12[%swap3A_602, %swap3A_603], %add3A_601 {strides = array<i32>} : memref<64x768xf32, #tpu.memory_space<vmem>>, vector<16xf32>,
    }
    %scan3A_24 = arith.constant 64 : i32
    "tpu.region"() ({
      %run_scoped3A = tpu.sem_alloc : memref<!tpu.dma_semaphore, #tpu.memory_space<semaphore_mem>>
      %dma_start3A_25 = arith.constant 0 : i32
      %dma_start3A_26 = tpu.memref_slice %arg7[%mul3A_2, %dma_start3A_25] : memref<2048x768xf32, #tpu.memory_space<hbm>> -> memref<64x768xf32, #tpu.memory_space<hbm>>
      %dma_start3A_27 = arith.constant 0 : i32
      %dma_start3A_28 = tpu.memref_slice %arg7[%mul3A_2, %dma_start3A_27] : memref<2048x768xf32, #tpu.memory_space<hbm>> -> memref<64x768xf32, #tpu.memory_space<hbm>>
      tpu.enqueue_dma source(%arg12 : memref<64x768xf32, #tpu.memory_space<vmem>>) target(%dma_start3A_28 : memref<64x768xf32, #tpu.memory_space<hbm>>) target_semaphore(%run_scoped3A : memref<!tpu.dma_semaphore, #tpu.memory_space<semaphore_mem>>)
      %dma_wait3A_29 = arith.constant 0 : i32
      %dma_wait3A_30 = tpu.memref_slice %arg7[%mul3A_2, %dma_wait3A_29] : memref<2048x768xf32, #tpu.memory_space<hbm>> -> memref<64x768xf32, #tpu.memory_space<hbm>>
      %dma_wait3A_31 = arith.constant 0 : i32
      %dma_wait3A_32 = tpu.memref_slice %arg7[%mul3A_2, %dma_wait3A_31] : memref<2048x768xf32, #tpu.memory_space<hbm>> -> memref<64x768xf32, #tpu.memory_space<hbm>>
      tpu.wait_dma2 semaphore(%run_scoped3A : memref<!tpu.dma_semaphore, #tpu.memory_space<semaphore_mem>>) src(%arg12 : memref<64x768xf32, #tpu.memory_space<vmem>>) dst(%dma_wait3A_32 : memref<64x768xf32, #tpu.memory_space<hbm>>)
      tpu.yield
    }) : () -> ()
    return
  }
}

module attributes {stable_mosaic.version = 14 : i64} {
  func.func @_gate_body(%arg0: i32, %arg1: memref<2048x768xf32, #tpu.memory_space<vmem>>, %arg2: memref<64x768xf32, #tpu.memory_space<vmem>>, %arg3: memref<1x64xf32, #tpu.memory_space<vmem>>, %arg4: memref<2048xi32, #tpu.memory_space<vmem>>, %arg5: memref<2048xi32, #tpu.memory_space<vmem>>, %arg6: memref<2048xf32, #tpu.memory_space<vmem>>, %arg7: memref<2048xf32, #tpu.memory_space<vmem>>, %arg8: memref<1x96xi32, #tpu.memory_space<vmem>>, %arg9: memref<1x16xi32, #tpu.memory_space<vmem>>) attributes {dimension_semantics = [#tpu.dimension_semantics<arbitrary>], iteration_bounds = array<i64: 1>, scalar_prefetch = 0 : i64, scratch_operands = 0 : i64, tpu.core_type = #tpu.core_type<tc>, window_params = [{pipeline_mode = #tpu.pipeline_mode<synchronous>, transform_indices = @transform_0, window_bounds = array<i64: 2048, 768>}, {pipeline_mode = #tpu.pipeline_mode<synchronous>, transform_indices = @transform_1, window_bounds = array<i64: 64, 768>}, {pipeline_mode = #tpu.pipeline_mode<synchronous>, transform_indices = @transform_2, window_bounds = array<i64: 1, 64>}, {pipeline_mode = #tpu.pipeline_mode<synchronous>, transform_indices = @transform_3, window_bounds = array<i64: 2048>}, {pipeline_mode = #tpu.pipeline_mode<synchronous>, transform_indices = @transform_4, window_bounds = array<i64: 2048>}, {pipeline_mode = #tpu.pipeline_mode<synchronous>, transform_indices = @transform_5, window_bounds = array<i64: 2048>}, {pipeline_mode = #tpu.pipeline_mode<synchronous>, transform_indices = @transform_6, window_bounds = array<i64: 2048>}, {pipeline_mode = #tpu.pipeline_mode<synchronous>, transform_indices = @transform_7, window_bounds = array<i64: 1, 96>}, {pipeline_mode = #tpu.pipeline_mode<synchronous>, transform_indices = @transform_8, window_bounds = array<i64: 1, 16>}]} {
    %get3A = arith.constant 0 : index
    %get3A_0 = arith.constant 0 : index
    %get3A_1 = vector.load %arg1[%get3A, %get3A_0] : memref<2048x768xf32, #tpu.memory_space<vmem>>, vector<2048x768xf32>
    %get3A_2 = arith.constant 0 : index
    %get3A_3 = arith.constant 0 : index
    %get3A_4 = vector.load %arg2[%get3A_2, %get3A_3] : memref<64x768xf32, #tpu.memory_space<vmem>>, vector<64x768xf32>
    %dot_general3A = arith.constant dense<0.000000e+00> : vector<2048x64xf32>
    %dot_general3A_5 = tpu.matmul %get3A_1, %get3A_4, %dot_general3A {dimension_numbers = #tpu.dot_dimension_numbers<[1], [1], [0], [0], [0, 0, 1, 0], [], []>, transpose_lhs_hint = false} : vector<2048x768xf32>, vector<64x768xf32>, vector<2048x64xf32> -> vector<2048x64xf32>
    %get3A_6 = arith.constant 0 : index
    %get3A_7 = arith.constant 0 : index
    %get3A_8 = vector.load %arg3[%get3A_6, %get3A_7] : memref<1x64xf32, #tpu.memory_space<vmem>>, vector<1x64xf32>
    %add3A = vector.broadcast %get3A_8 : vector<1x64xf32> to vector<2048x64xf32>
    %add3A_9 = arith.addf %dot_general3A_5, %add3A : vector<2048x64xf32>
    %reduce_max3A = arith.constant dense<0xFF800000> : vector<2048xf32>
    %reduce_max3A_10 = vector.multi_reduction <maximumf>, %add3A_9, %reduce_max3A [1] : vector<2048x64xf32> to vector<2048xf32>
    %broadcast_in_dim3A = vector.shape_cast %reduce_max3A_10 : vector<2048xf32> to vector<2048x1xf32>
    %sub3A = vector.broadcast %broadcast_in_dim3A : vector<2048x1xf32> to vector<2048x64xf32>
    %sub3A_11 = arith.subf %add3A_9, %sub3A : vector<2048x64xf32>
    %exp3A = math.exp %sub3A_11 : vector<2048x64xf32>
    %reduce_sum3A = arith.constant dense<0.000000e+00> : vector<2048xf32>
    %reduce_sum3A_12 = vector.multi_reduction <add>, %exp3A, %reduce_sum3A [1] : vector<2048x64xf32> to vector<2048xf32>
    %broadcast_in_dim3A_13 = vector.shape_cast %reduce_sum3A_12 : vector<2048xf32> to vector<2048x1xf32>
    %div3A = vector.broadcast %broadcast_in_dim3A_13 : vector<2048x1xf32> to vector<2048x64xf32>
    %div3A_14 = arith.divf %exp3A, %div3A : vector<2048x64xf32>
    %iota3A = tpu.iota {dimensions = array<i32: 1>} : vector<2048x64xi32>
    %reduce_max3A_15 = arith.constant dense<0xFF800000> : vector<2048xf32>
    %reduce_max3A_16 = vector.multi_reduction <maximumf>, %div3A_14, %reduce_max3A_15 [1] : vector<2048x64xf32> to vector<2048xf32>
    %broadcast_in_dim3A_17 = vector.shape_cast %reduce_max3A_16 : vector<2048xf32> to vector<2048x1xf32>
    %eq3A = vector.broadcast %broadcast_in_dim3A_17 : vector<2048x1xf32> to vector<2048x64xf32>
    %eq3A_18 = arith.cmpf oeq, %div3A_14, %eq3A : vector<2048x64xf32>
    %jit3A = arith.constant 64 : i32
    %broadcast_in_dim3A_19 = vector.broadcast %jit3A : i32 to vector<2048x64xi32>
    %select_n3A = arith.select %eq3A_18, %iota3A, %broadcast_in_dim3A_19 : vector<2048x64xi1>, vector<2048x64xi32>
    %reduce_min3A = arith.constant dense<2147483647> : vector<2048xi32>
    %reduce_min3A_20 = vector.multi_reduction <minsi>, %select_n3A, %reduce_min3A [1] : vector<2048x64xi32> to vector<2048xi32>
    %broadcast_in_dim3A_21 = vector.shape_cast %reduce_min3A_20 : vector<2048xi32> to vector<2048x1xi32>
    %eq3A_22 = vector.broadcast %broadcast_in_dim3A_21 : vector<2048x1xi32> to vector<2048x64xi32>
    %eq3A_23 = arith.cmpi eq, %iota3A, %eq3A_22 : vector<2048x64xi32>
    %jit3A_24 = arith.constant 0xFF800000 : f32
    %broadcast_in_dim3A_25 = vector.broadcast %jit3A_24 : f32 to vector<2048x64xf32>
    %select_n3A_26 = arith.select %eq3A_23, %broadcast_in_dim3A_25, %div3A_14 : vector<2048x64xi1>, vector<2048x64xf32>
    %reduce_max3A_27 = arith.constant dense<0xFF800000> : vector<2048xf32>
    %reduce_max3A_28 = vector.multi_reduction <maximumf>, %select_n3A_26, %reduce_max3A_27 [1] : vector<2048x64xf32> to vector<2048xf32>
    %broadcast_in_dim3A_29 = vector.shape_cast %reduce_max3A_28 : vector<2048xf32> to vector<2048x1xf32>
    %eq3A_30 = vector.broadcast %broadcast_in_dim3A_29 : vector<2048x1xf32> to vector<2048x64xf32>
    %eq3A_31 = arith.cmpf oeq, %select_n3A_26, %eq3A_30 : vector<2048x64xf32>
    %jit3A_32 = arith.constant 64 : i32
    %broadcast_in_dim3A_33 = vector.broadcast %jit3A_32 : i32 to vector<2048x64xi32>
    %select_n3A_34 = arith.select %eq3A_31, %iota3A, %broadcast_in_dim3A_33 : vector<2048x64xi1>, vector<2048x64xi32>
    %reduce_min3A_35 = arith.constant dense<2147483647> : vector<2048xi32>
    %reduce_min3A_36 = vector.multi_reduction <minsi>, %select_n3A_34, %reduce_min3A_35 [1] : vector<2048x64xi32> to vector<2048xi32>
    %broadcast_in_dim3A_37 = vector.shape_cast %reduce_min3A_36 : vector<2048xi32> to vector<2048x1xi32>
    %eq3A_38 = vector.broadcast %broadcast_in_dim3A_21 : vector<2048x1xi32> to vector<2048x64xi32>
    %eq3A_39 = arith.cmpi eq, %iota3A, %eq3A_38 : vector<2048x64xi32>
    %convert_element_type3A = arith.extui %eq3A_39 : vector<2048x64xi1> to vector<2048x64xi32>
    %convert_element_type3A_40 = arith.sitofp %convert_element_type3A : vector<2048x64xi32> to vector<2048x64xf32>
    %eq3A_41 = vector.broadcast %broadcast_in_dim3A_37 : vector<2048x1xi32> to vector<2048x64xi32>
    %eq3A_42 = arith.cmpi eq, %iota3A, %eq3A_41 : vector<2048x64xi32>
    %convert_element_type3A_43 = arith.extui %eq3A_42 : vector<2048x64xi1> to vector<2048x64xi32>
    %convert_element_type3A_44 = arith.sitofp %convert_element_type3A_43 : vector<2048x64xi32> to vector<2048x64xf32>
    %add3A_45 = arith.addf %convert_element_type3A_40, %convert_element_type3A_44 : vector<2048x64xf32>
    %iota3A_46 = tpu.iota {dimensions = array<i32: 0>} : vector<2048x2048xi32>
    %iota3A_47 = tpu.iota {dimensions = array<i32: 1>} : vector<2048x2048xi32>
    %gt3A = arith.cmpi sgt, %iota3A_46, %iota3A_47 : vector<2048x2048xi32>
    %convert_element_type3A_48 = arith.extui %gt3A : vector<2048x2048xi1> to vector<2048x2048xi32>
    %convert_element_type3A_49 = arith.sitofp %convert_element_type3A_48 : vector<2048x2048xi32> to vector<2048x2048xf32>
    %eq3A_50 = arith.cmpi eq, %iota3A_46, %iota3A_47 : vector<2048x2048xi32>
    %convert_element_type3A_51 = arith.extui %eq3A_50 : vector<2048x2048xi1> to vector<2048x2048xi32>
    %convert_element_type3A_52 = arith.sitofp %convert_element_type3A_51 : vector<2048x2048xi32> to vector<2048x2048xf32>
    %dot_general3A_53 = arith.constant dense<0.000000e+00> : vector<2048x64xf32>
    %dot_general3A_54 = tpu.matmul %convert_element_type3A_49, %add3A_45, %dot_general3A_53 {dimension_numbers = #tpu.dot_dimension_numbers<[1], [0], [0], [1], [0, 0, 1, 1], [], []>, transpose_lhs_hint = false} : vector<2048x2048xf32>, vector<2048x64xf32>, vector<2048x64xf32> -> vector<2048x64xf32>
    %mul3A = arith.mulf %dot_general3A_54, %convert_element_type3A_40 : vector<2048x64xf32>
    %reduce_sum3A_55 = arith.constant dense<0.000000e+00> : vector<2048xf32>
    %reduce_sum3A_56 = vector.multi_reduction <add>, %mul3A, %reduce_sum3A_55 [1] : vector<2048x64xf32> to vector<2048xf32>
    %broadcast_in_dim3A_57 = vector.shape_cast %reduce_sum3A_56 : vector<2048xf32> to vector<2048x1xf32>
    %add3A_58 = arith.constant 5.000000e-01 : f32
    %add3A_59 = vector.broadcast %add3A_58 : f32 to vector<2048x1xf32>
    %add3A_60 = arith.addf %broadcast_in_dim3A_57, %add3A_59 : vector<2048x1xf32>
    %floor3A = math.floor %add3A_60 : vector<2048x1xf32>
    %mul3A_61 = arith.mulf %dot_general3A_54, %convert_element_type3A_44 : vector<2048x64xf32>
    %reduce_sum3A_62 = arith.constant dense<0.000000e+00> : vector<2048xf32>
    %reduce_sum3A_63 = vector.multi_reduction <add>, %mul3A_61, %reduce_sum3A_62 [1] : vector<2048x64xf32> to vector<2048xf32>
    %broadcast_in_dim3A_64 = vector.shape_cast %reduce_sum3A_63 : vector<2048xf32> to vector<2048x1xf32>
    %add3A_65 = arith.constant 5.000000e-01 : f32
    %add3A_66 = vector.broadcast %add3A_65 : f32 to vector<2048x1xf32>
    %add3A_67 = arith.addf %broadcast_in_dim3A_64, %add3A_66 : vector<2048x1xf32>
    %floor3A_68 = math.floor %add3A_67 : vector<2048x1xf32>
    %broadcast_in_dim3A_69 = arith.constant 1.000000e+00 : f32
    %broadcast_in_dim3A_70 = vector.broadcast %broadcast_in_dim3A_69 : f32 to vector<2048x1xf32>
    %dot_general3A_71 = arith.constant dense<0.000000e+00> : vector<64x1xf32>
    %dot_general3A_72 = tpu.matmul %add3A_45, %broadcast_in_dim3A_70, %dot_general3A_71 {dimension_numbers = #tpu.dot_dimension_numbers<[0], [0], [1], [1], [0, 1, 1, 1], [], []>, transpose_lhs_hint = false} : vector<2048x64xf32>, vector<2048x1xf32>, vector<64x1xf32> -> vector<64x1xf32>
    %add3A_73 = arith.constant 5.000000e-01 : f32
    %add3A_74 = vector.broadcast %add3A_73 : f32 to vector<64x1xf32>
    %add3A_75 = arith.addf %dot_general3A_72, %add3A_74 : vector<64x1xf32>
    %floor3A_76 = math.floor %add3A_75 : vector<64x1xf32>
    %convert_element_type3A_77 = arith.fptosi %floor3A_76 : vector<64x1xf32> to vector<64x1xi32>
    %add3A_78 = arith.constant 127 : i32
    %add3A_79 = vector.broadcast %add3A_78 : i32 to vector<64x1xi32>
    %add3A_80 = arith.addi %convert_element_type3A_77, %add3A_79 : vector<64x1xi32>
    %shift_right_arithmetic3A = arith.constant 7 : i32
    %shift_right_arithmetic3A_81 = vector.broadcast %shift_right_arithmetic3A : i32 to vector<64x1xi32>
    %shift_right_arithmetic3A_82 = arith.shrsi %add3A_80, %shift_right_arithmetic3A_81 : vector<64x1xi32>
    %convert_element_type3A_83 = arith.sitofp %shift_right_arithmetic3A_82 : vector<64x1xi32> to vector<64x1xf32>
    %iota3A_84 = tpu.iota {dimensions = array<i32: 0>} : vector<64x64xi32>
    %iota3A_85 = tpu.iota {dimensions = array<i32: 1>} : vector<64x64xi32>
    %ge3A = arith.cmpi sge, %iota3A_84, %iota3A_85 : vector<64x64xi32>
    %convert_element_type3A_86 = arith.extui %ge3A : vector<64x64xi1> to vector<64x64xi32>
    %convert_element_type3A_87 = arith.sitofp %convert_element_type3A_86 : vector<64x64xi32> to vector<64x64xf32>
    %dot_general3A_88 = arith.constant dense<0.000000e+00> : vector<64x1xf32>
    %dot_general3A_89 = tpu.matmul %convert_element_type3A_87, %convert_element_type3A_83, %dot_general3A_88 {dimension_numbers = #tpu.dot_dimension_numbers<[1], [0], [0], [1], [0, 0, 1, 1], [], []>, transpose_lhs_hint = false} : vector<64x64xf32>, vector<64x1xf32>, vector<64x1xf32> -> vector<64x1xf32>
    %add3A_90 = arith.constant 5.000000e-01 : f32
    %add3A_91 = vector.broadcast %add3A_90 : f32 to vector<64x1xf32>
    %add3A_92 = arith.addf %dot_general3A_89, %add3A_91 : vector<64x1xf32>
    %floor3A_93 = math.floor %add3A_92 : vector<64x1xf32>
    %sub3A_94 = arith.subf %floor3A_93, %convert_element_type3A_83 : vector<64x1xf32>
    %slice3A = vector.extract_strided_slice %floor3A_93 {offsets = [63, 0], sizes = [1, 1], strides = [1, 1]} : vector<64x1xf32> to vector<1x1xf32>
    %iota3A_95 = tpu.iota {dimensions = array<i32: 1>} : vector<1x96xi32>
    %convert_element_type3A_96 = arith.sitofp %iota3A_95 : vector<1x96xi32> to vector<1x96xf32>
    %le3A = vector.broadcast %floor3A_93 : vector<64x1xf32> to vector<64x96xf32>
    %le3A_97 = vector.broadcast %convert_element_type3A_96 : vector<1x96xf32> to vector<64x96xf32>
    %le3A_98 = arith.cmpf ole, %le3A, %le3A_97 : vector<64x96xf32>
    %convert_element_type3A_99 = arith.extui %le3A_98 : vector<64x96xi1> to vector<64x96xi32>
    %convert_element_type3A_100 = arith.sitofp %convert_element_type3A_99 : vector<64x96xi32> to vector<64x96xf32>
    %reduce_sum3A_101 = arith.constant dense<0.000000e+00> : vector<96xf32>
    %reduce_sum3A_102 = vector.multi_reduction <add>, %convert_element_type3A_100, %reduce_sum3A_101 [0] : vector<64x96xf32> to vector<96xf32>
    %broadcast_in_dim3A_103 = vector.shape_cast %reduce_sum3A_102 : vector<96xf32> to vector<1x96xf32>
    %iota3A_104 = tpu.iota {dimensions = array<i32: 0>} : vector<64x1xi32>
    %convert_element_type3A_105 = arith.sitofp %iota3A_104 : vector<64x1xi32> to vector<64x1xf32>
    %gt3A_106 = arith.constant 0.000000e+00 : f32
    %gt3A_107 = vector.broadcast %gt3A_106 : f32 to vector<64x1xf32>
    %gt3A_108 = arith.cmpf ogt, %floor3A_76, %gt3A_107 : vector<64x1xf32>
    %jit3A_109 = arith.constant -1.000000e+00 : f32
    %broadcast_in_dim3A_110 = vector.broadcast %jit3A_109 : f32 to vector<64x1xf32>
    %select_n3A_111 = arith.select %gt3A_108, %convert_element_type3A_105, %broadcast_in_dim3A_110 : vector<64x1xi1>, vector<64x1xf32>
    %reduce_max3A_112 = arith.constant dense<0xFF800000> : vector<1xf32>
    %reduce_max3A_113 = vector.multi_reduction <maximumf>, %select_n3A_111, %reduce_max3A_112 [0] : vector<64x1xf32> to vector<1xf32>
    %broadcast_in_dim3A_114 = vector.shape_cast %reduce_max3A_113 : vector<1xf32> to vector<1x1xf32>
    %lt3A = vector.broadcast %slice3A : vector<1x1xf32> to vector<1x96xf32>
    %lt3A_115 = arith.cmpf olt, %convert_element_type3A_96, %lt3A : vector<1x96xf32>
    %broadcast_in_dim3A_116 = vector.shape_cast %broadcast_in_dim3A_114 : vector<1x1xf32> to vector<1x1xf32>
    %broadcast_in_dim3A_117 = vector.broadcast %broadcast_in_dim3A_116 : vector<1x1xf32> to vector<1x96xf32>
    %select_n3A_118 = arith.select %lt3A_115, %broadcast_in_dim3A_103, %broadcast_in_dim3A_117 : vector<1x96xi1>, vector<1x96xf32>
    %convert_element_type3A_119 = arith.fptosi %select_n3A_118 : vector<1x96xf32> to vector<1x96xi32>
    %swap3A = arith.constant 0 : index
    %swap3A_120 = arith.constant 0 : index
    %swap3A_121 = vector.load %arg8[%swap3A, %swap3A_120] : memref<1x96xi32, #tpu.memory_space<vmem>>, vector<1x96xi32>
    tpu.vector_store %arg8[%swap3A, %swap3A_120], %convert_element_type3A_119 {strides = array<i32>} : memref<1x96xi32, #tpu.memory_space<vmem>>, vector<1x96xi32>,
    %broadcast_in_dim3A_122 = vector.shape_cast %slice3A : vector<1x1xf32> to vector<1x1xf32>
    %broadcast_in_dim3A_123 = vector.broadcast %broadcast_in_dim3A_122 : vector<1x1xf32> to vector<1x16xf32>
    %convert_element_type3A_124 = arith.fptosi %broadcast_in_dim3A_123 : vector<1x16xf32> to vector<1x16xi32>
    %swap3A_125 = arith.constant 0 : index
    %swap3A_126 = arith.constant 0 : index
    %swap3A_127 = vector.load %arg9[%swap3A_125, %swap3A_126] : memref<1x16xi32, #tpu.memory_space<vmem>>, vector<1x16xi32>
    tpu.vector_store %arg9[%swap3A_125, %swap3A_126], %convert_element_type3A_124 {strides = array<i32>} : memref<1x16xi32, #tpu.memory_space<vmem>>, vector<1x16xi32>,
    %concatenate3A = tpu.concatenate %floor3A, %floor3A_68, %broadcast_in_dim3A_17, %broadcast_in_dim3A_29 in 1 : vector<2048x1xf32>, vector<2048x1xf32>, vector<2048x1xf32>, vector<2048x1xf32> -> vector<2048x4xf32>
    %dot_general3A_128 = arith.constant dense<0.000000e+00> : vector<4x2048xf32>
    %dot_general3A_129 = tpu.matmul %concatenate3A, %convert_element_type3A_52, %dot_general3A_128 {dimension_numbers = #tpu.dot_dimension_numbers<[0], [0], [1], [1], [0, 1, 1, 1], [], []>, precision = #tpu.contract_precision<fp32>, transpose_lhs_hint = false} : vector<2048x4xf32>, vector<2048x2048xf32>, vector<4x2048xf32> -> vector<4x2048xf32>
    %dot_general3A_130 = arith.constant dense<0.000000e+00> : vector<1x2048xf32>
    %dot_general3A_131 = tpu.matmul %sub3A_94, %convert_element_type3A_40, %dot_general3A_130 {dimension_numbers = #tpu.dot_dimension_numbers<[0], [1], [1], [0], [0, 1, 1, 0], [], []>, precision = #tpu.contract_precision<fp32>, transpose_lhs_hint = false} : vector<64x1xf32>, vector<2048x64xf32>, vector<1x2048xf32> -> vector<1x2048xf32>
    %dot_general3A_132 = arith.constant dense<0.000000e+00> : vector<1x2048xf32>
    %dot_general3A_133 = tpu.matmul %sub3A_94, %convert_element_type3A_44, %dot_general3A_132 {dimension_numbers = #tpu.dot_dimension_numbers<[0], [1], [1], [0], [0, 1, 1, 0], [], []>, precision = #tpu.contract_precision<fp32>, transpose_lhs_hint = false} : vector<64x1xf32>, vector<2048x64xf32>, vector<1x2048xf32> -> vector<1x2048xf32>
    %mul3A_134 = arith.constant 1.280000e+02 : f32
    %mul3A_135 = vector.broadcast %mul3A_134 : f32 to vector<1x2048xf32>
    %mul3A_136 = arith.mulf %dot_general3A_131, %mul3A_135 : vector<1x2048xf32>
    %slice3A_137 = vector.extract_strided_slice %dot_general3A_129 {offsets = [0, 0], sizes = [1, 2048], strides = [1, 1]} : vector<4x2048xf32> to vector<1x2048xf32>
    %add3A_138 = arith.addf %mul3A_136, %slice3A_137 : vector<1x2048xf32>
    %add3A_139 = arith.constant 5.000000e-01 : f32
    %add3A_140 = vector.broadcast %add3A_139 : f32 to vector<1x2048xf32>
    %add3A_141 = arith.addf %add3A_138, %add3A_140 : vector<1x2048xf32>
    %convert_element_type3A_142 = arith.fptosi %add3A_141 : vector<1x2048xf32> to vector<1x2048xi32>
    %mul3A_143 = arith.constant 1.280000e+02 : f32
    %mul3A_144 = vector.broadcast %mul3A_143 : f32 to vector<1x2048xf32>
    %mul3A_145 = arith.mulf %dot_general3A_133, %mul3A_144 : vector<1x2048xf32>
    %slice3A_146 = vector.extract_strided_slice %dot_general3A_129 {offsets = [1, 0], sizes = [1, 2048], strides = [1, 1]} : vector<4x2048xf32> to vector<1x2048xf32>
    %add3A_147 = arith.addf %mul3A_145, %slice3A_146 : vector<1x2048xf32>
    %add3A_148 = arith.constant 5.000000e-01 : f32
    %add3A_149 = vector.broadcast %add3A_148 : f32 to vector<1x2048xf32>
    %add3A_150 = arith.addf %add3A_147, %add3A_149 : vector<1x2048xf32>
    %convert_element_type3A_151 = arith.fptosi %add3A_150 : vector<1x2048xf32> to vector<1x2048xi32>
    %reshape3A = vector.shape_cast %convert_element_type3A_142 : vector<1x2048xi32> to vector<2048xi32>
    %swap3A_152 = arith.constant 0 : index
    %swap3A_153 = vector.load %arg4[%swap3A_152] : memref<2048xi32, #tpu.memory_space<vmem>>, vector<2048xi32>
    tpu.vector_store %arg4[%swap3A_152], %reshape3A {strides = array<i32>} : memref<2048xi32, #tpu.memory_space<vmem>>, vector<2048xi32>,
    %reshape3A_154 = vector.shape_cast %convert_element_type3A_151 : vector<1x2048xi32> to vector<2048xi32>
    %swap3A_155 = arith.constant 0 : index
    %swap3A_156 = vector.load %arg5[%swap3A_155] : memref<2048xi32, #tpu.memory_space<vmem>>, vector<2048xi32>
    tpu.vector_store %arg5[%swap3A_155], %reshape3A_154 {strides = array<i32>} : memref<2048xi32, #tpu.memory_space<vmem>>, vector<2048xi32>,
    %slice3A_157 = vector.extract_strided_slice %dot_general3A_129 {offsets = [2, 0], sizes = [1, 2048], strides = [1, 1]} : vector<4x2048xf32> to vector<1x2048xf32>
    %reshape3A_158 = vector.shape_cast %slice3A_157 : vector<1x2048xf32> to vector<2048xf32>
    %swap3A_159 = arith.constant 0 : index
    %swap3A_160 = vector.load %arg6[%swap3A_159] : memref<2048xf32, #tpu.memory_space<vmem>>, vector<2048xf32>
    tpu.vector_store %arg6[%swap3A_159], %reshape3A_158 {strides = array<i32>} : memref<2048xf32, #tpu.memory_space<vmem>>, vector<2048xf32>,
    %slice3A_161 = vector.extract_strided_slice %dot_general3A_129 {offsets = [3, 0], sizes = [1, 2048], strides = [1, 1]} : vector<4x2048xf32> to vector<1x2048xf32>
    %reshape3A_162 = vector.shape_cast %slice3A_161 : vector<1x2048xf32> to vector<2048xf32>
    %swap3A_163 = arith.constant 0 : index
    %swap3A_164 = vector.load %arg7[%swap3A_163] : memref<2048xf32, #tpu.memory_space<vmem>>, vector<2048xf32>
    tpu.vector_store %arg7[%swap3A_163], %reshape3A_162 {strides = array<i32>} : memref<2048xf32, #tpu.memory_space<vmem>>, vector<2048xf32>,
    return
  }
  func.func @transform_0(%arg0: i32) -> (i32, i32) {
    %c0_i32 = arith.constant 0 : i32
    %c0_i32_0 = arith.constant 0 : i32
    %c0_i32_1 = arith.constant 0 : i32
    return %c0_i32, %c0_i32_0 : i32, i32
  }
  func.func @transform_1(%arg0: i32) -> (i32, i32) {
    %c0_i32 = arith.constant 0 : i32
    %c0_i32_0 = arith.constant 0 : i32
    %c0_i32_1 = arith.constant 0 : i32
    return %c0_i32, %c0_i32_0 : i32, i32
  }
  func.func @transform_2(%arg0: i32) -> (i32, i32) {
    %c0_i32 = arith.constant 0 : i32
    %c0_i32_0 = arith.constant 0 : i32
    %c0_i32_1 = arith.constant 0 : i32
    return %c0_i32, %c0_i32_0 : i32, i32
  }
  func.func @transform_3(%arg0: i32) -> i32 {
    %c0_i32 = arith.constant 0 : i32
    %c0_i32_0 = arith.constant 0 : i32
    return %c0_i32 : i32
  }
  func.func @transform_4(%arg0: i32) -> i32 {
    %c0_i32 = arith.constant 0 : i32
    %c0_i32_0 = arith.constant 0 : i32
    return %c0_i32 : i32
  }
  func.func @transform_5(%arg0: i32) -> i32 {
    %c0_i32 = arith.constant 0 : i32
    %c0_i32_0 = arith.constant 0 : i32
    return %c0_i32 : i32
  }
  func.func @transform_6(%arg0: i32) -> i32 {
    %c0_i32 = arith.constant 0 : i32
    %c0_i32_0 = arith.constant 0 : i32
    return %c0_i32 : i32
  }
  func.func @transform_7(%arg0: i32) -> (i32, i32) {
    %c0_i32 = arith.constant 0 : i32
    %c0_i32_0 = arith.constant 0 : i32
    %c0_i32_1 = arith.constant 0 : i32
    return %c0_i32, %c0_i32_0 : i32, i32
  }
  func.func @transform_8(%arg0: i32) -> (i32, i32) {
    %c0_i32 = arith.constant 0 : i32
    %c0_i32_0 = arith.constant 0 : i32
    %c0_i32_1 = arith.constant 0 : i32
    return %c0_i32, %c0_i32_0 : i32, i32
  }
}

module attributes {stable_mosaic.version = 14 : i64} {
  func.func @_ffn_body(%arg0: i32, %arg1: memref<1x96xi32, #tpu.memory_space<smem>>, %arg2: memref<1x16xi32, #tpu.memory_space<smem>>, %arg3: memref<128x768xf32, #tpu.memory_space<vmem>>, %arg4: memref<1x768x768xf32, #tpu.memory_space<vmem>>, %arg5: memref<1x1x768xf32, #tpu.memory_space<vmem>>, %arg6: memref<1x768x768xf32, #tpu.memory_space<vmem>>, %arg7: memref<1x1x768xf32, #tpu.memory_space<vmem>>, %arg8: memref<128x768xf32, #tpu.memory_space<vmem>>) attributes {dimension_semantics = [#tpu.dimension_semantics<arbitrary>], iteration_bounds = array<i64: 96>, scalar_prefetch = 2 : i64, scratch_operands = 0 : i64, tpu.core_type = #tpu.core_type<tc>, window_params = [{transform_indices = @transform_0, window_bounds = array<i64: 128, 768>}, {transform_indices = @transform_1, window_bounds = array<i64: 1, 768, 768>}, {transform_indices = @transform_2, window_bounds = array<i64: 1, 1, 768>}, {transform_indices = @transform_3, window_bounds = array<i64: 1, 768, 768>}, {transform_indices = @transform_4, window_bounds = array<i64: 1, 1, 768>}, {transform_indices = @transform_5, window_bounds = array<i64: 128, 768>}]} {
    %get3A = arith.constant 0 : index
    %get3A_0 = arith.constant 0 : index
    %get3A_1 = memref.load %arg2[%get3A, %get3A_0] : memref<1x16xi32, #tpu.memory_space<smem>>
    %lt3A = arith.cmpi slt, %arg0, %get3A_1 : i32
    %convert_element_type3A = arith.extui %lt3A : i1 to i32
    %cond3A = arith.constant 0 : i32
    %cond3A_2 = arith.cmpi ne, %convert_element_type3A, %cond3A : i32
    scf.if %cond3A_2 {
      %get3A_3 = arith.constant 0 : index
      %get3A_4 = arith.constant 0 : index
      %get3A_5 = vector.load %arg3[%get3A_3, %get3A_4] : memref<128x768xf32, #tpu.memory_space<vmem>>, vector<128x768xf32>
      %get3A_6 = arith.constant 0 : index
      %get3A_7 = arith.constant 0 : index
      %get3A_8 = arith.constant 0 : index
      %get3A_9 = vector.load %arg4[%get3A_6, %get3A_7, %get3A_8] : memref<1x768x768xf32, #tpu.memory_space<vmem>>, vector<1x768x768xf32>
      %get3A_10 = vector.shape_cast %get3A_9 : vector<1x768x768xf32> to vector<768x768xf32>
      %dot_general3A = arith.constant dense<0.000000e+00> : vector<128x768xf32>
      %dot_general3A_11 = tpu.matmul %get3A_5, %get3A_10, %dot_general3A {dimension_numbers = #tpu.dot_dimension_numbers<[1], [0], [0], [1], [0, 0, 1, 1], [], []>, transpose_lhs_hint = false} : vector<128x768xf32>, vector<768x768xf32>, vector<128x768xf32> -> vector<128x768xf32>
      %get3A_12 = arith.constant 0 : index
      %get3A_13 = arith.constant 0 : index
      %get3A_14 = arith.constant 0 : index
      %get3A_15 = vector.load %arg5[%get3A_12, %get3A_13, %get3A_14] : memref<1x1x768xf32, #tpu.memory_space<vmem>>, vector<1x1x768xf32>
      %get3A_16 = vector.shape_cast %get3A_15 : vector<1x1x768xf32> to vector<1x768xf32>
      %add3A = vector.broadcast %get3A_16 : vector<1x768xf32> to vector<128x768xf32>
      %add3A_17 = arith.addf %dot_general3A_11, %add3A : vector<128x768xf32>
      %max3A = arith.constant 0.000000e+00 : f32
      %max3A_18 = vector.broadcast %max3A : f32 to vector<128x768xf32>
      %max3A_19 = arith.maximumf %add3A_17, %max3A_18 : vector<128x768xf32>
      %get3A_20 = arith.constant 0 : index
      %get3A_21 = arith.constant 0 : index
      %get3A_22 = arith.constant 0 : index
      %get3A_23 = vector.load %arg6[%get3A_20, %get3A_21, %get3A_22] : memref<1x768x768xf32, #tpu.memory_space<vmem>>, vector<1x768x768xf32>
      %get3A_24 = vector.shape_cast %get3A_23 : vector<1x768x768xf32> to vector<768x768xf32>
      %dot_general3A_25 = arith.constant dense<0.000000e+00> : vector<128x768xf32>
      %dot_general3A_26 = tpu.matmul %max3A_19, %get3A_24, %dot_general3A_25 {dimension_numbers = #tpu.dot_dimension_numbers<[1], [0], [0], [1], [0, 0, 1, 1], [], []>, transpose_lhs_hint = false} : vector<128x768xf32>, vector<768x768xf32>, vector<128x768xf32> -> vector<128x768xf32>
      %get3A_27 = arith.constant 0 : index
      %get3A_28 = arith.constant 0 : index
      %get3A_29 = arith.constant 0 : index
      %get3A_30 = vector.load %arg7[%get3A_27, %get3A_28, %get3A_29] : memref<1x1x768xf32, #tpu.memory_space<vmem>>, vector<1x1x768xf32>
      %get3A_31 = vector.shape_cast %get3A_30 : vector<1x1x768xf32> to vector<1x768xf32>
      %add3A_32 = vector.broadcast %get3A_31 : vector<1x768xf32> to vector<128x768xf32>
      %add3A_33 = arith.addf %dot_general3A_26, %add3A_32 : vector<128x768xf32>
      %swap3A = arith.constant 0 : index
      %swap3A_34 = arith.constant 0 : index
      %swap3A_35 = vector.load %arg8[%swap3A, %swap3A_34] : memref<128x768xf32, #tpu.memory_space<vmem>>, vector<128x768xf32>
      tpu.vector_store %arg8[%swap3A, %swap3A_34], %add3A_33 {strides = array<i32>} : memref<128x768xf32, #tpu.memory_space<vmem>>, vector<128x768xf32>,
    } else {
    }
    return
  }
  func.func @transform_0(%arg0: i32, %arg1: memref<1x96xi32, #tpu.memory_space<smem>>, %arg2: memref<1x16xi32, #tpu.memory_space<smem>>) -> (i32, i32) {
    %get3A = arith.constant 0 : index
    %get3A_0 = arith.constant 0 : index
    %get3A_1 = memref.load %arg2[%get3A, %get3A_0] : memref<1x16xi32, #tpu.memory_space<smem>>
    %lt3A = arith.cmpi slt, %arg0, %get3A_1 : i32
    %select_n3A = arith.constant 0 : i32
    %select_n3A_2 = arith.select %lt3A, %arg0, %select_n3A : i32
    %c0_i32 = arith.constant 0 : i32
    %c0_i32_3 = arith.constant 0 : i32
    return %select_n3A_2, %c0_i32 : i32, i32
  }
  func.func @transform_1(%arg0: i32, %arg1: memref<1x96xi32, #tpu.memory_space<smem>>, %arg2: memref<1x16xi32, #tpu.memory_space<smem>>) -> (i32, i32, i32) {
    %get3A = arith.constant 0 : index
    %get3A_0 = arith.index_cast %arg0 : i32 to index
    %get3A_1 = memref.load %arg1[%get3A, %get3A_0] : memref<1x96xi32, #tpu.memory_space<smem>>
    %c0_i32 = arith.constant 0 : i32
    %c0_i32_2 = arith.constant 0 : i32
    %c0_i32_3 = arith.constant 0 : i32
    return %get3A_1, %c0_i32, %c0_i32_2 : i32, i32, i32
  }
  func.func @transform_2(%arg0: i32, %arg1: memref<1x96xi32, #tpu.memory_space<smem>>, %arg2: memref<1x16xi32, #tpu.memory_space<smem>>) -> (i32, i32, i32) {
    %get3A = arith.constant 0 : index
    %get3A_0 = arith.index_cast %arg0 : i32 to index
    %get3A_1 = memref.load %arg1[%get3A, %get3A_0] : memref<1x96xi32, #tpu.memory_space<smem>>
    %c0_i32 = arith.constant 0 : i32
    %c0_i32_2 = arith.constant 0 : i32
    %c0_i32_3 = arith.constant 0 : i32
    return %get3A_1, %c0_i32, %c0_i32_2 : i32, i32, i32
  }
  func.func @transform_3(%arg0: i32, %arg1: memref<1x96xi32, #tpu.memory_space<smem>>, %arg2: memref<1x16xi32, #tpu.memory_space<smem>>) -> (i32, i32, i32) {
    %get3A = arith.constant 0 : index
    %get3A_0 = arith.index_cast %arg0 : i32 to index
    %get3A_1 = memref.load %arg1[%get3A, %get3A_0] : memref<1x96xi32, #tpu.memory_space<smem>>
    %c0_i32 = arith.constant 0 : i32
    %c0_i32_2 = arith.constant 0 : i32
    %c0_i32_3 = arith.constant 0 : i32
    return %get3A_1, %c0_i32, %c0_i32_2 : i32, i32, i32
  }
  func.func @transform_4(%arg0: i32, %arg1: memref<1x96xi32, #tpu.memory_space<smem>>, %arg2: memref<1x16xi32, #tpu.memory_space<smem>>) -> (i32, i32, i32) {
    %get3A = arith.constant 0 : index
    %get3A_0 = arith.index_cast %arg0 : i32 to index
    %get3A_1 = memref.load %arg1[%get3A, %get3A_0] : memref<1x96xi32, #tpu.memory_space<smem>>
    %c0_i32 = arith.constant 0 : i32
    %c0_i32_2 = arith.constant 0 : i32
    %c0_i32_3 = arith.constant 0 : i32
    return %get3A_1, %c0_i32, %c0_i32_2 : i32, i32, i32
  }
  func.func @transform_5(%arg0: i32, %arg1: memref<1x96xi32, #tpu.memory_space<smem>>, %arg2: memref<1x16xi32, #tpu.memory_space<smem>>) -> (i32, i32) {
    %get3A = arith.constant 0 : index
    %get3A_0 = arith.constant 0 : index
    %get3A_1 = memref.load %arg2[%get3A, %get3A_0] : memref<1x16xi32, #tpu.memory_space<smem>>
    %lt3A = arith.cmpi slt, %arg0, %get3A_1 : i32
    %select_n3A = arith.constant 96 : i32
    %select_n3A_2 = arith.select %lt3A, %arg0, %select_n3A : i32
    %c0_i32 = arith.constant 0 : i32
    %c0_i32_3 = arith.constant 0 : i32
    return %select_n3A_2, %c0_i32 : i32, i32
  }
}

</mosaic_0001>

<sc_bundles>
// kernel: kernel.6.cloned.1.call-start
scs
__scs_entry_jumppad:
0x0: {  	(pc) =	sbr.rel $0x88, $3  }
0x1: {  	(tag) =	ssettag $0x0;
	lr =	simm.s32 $0x1  }
0x2: {  	[smem:$0x3F9A] =	sst lr;
	_ =	strace $0xD0000000  }
0x3: {  	_ = 	snop  }
0x4: {  	_ = 	snop  }
0x5: {  	_ = 	snop  }
0x6: {  	_ = 	snop  }
0x7: {  	_ = 	snop  }
__scs_overlays_trampoline_lowered:
0x8: {  	[smem:$0x3FA9] =	sst s0  }
0x9: {  	[smem:$0x3FAA] =	sst s1  }
0xa: {  	[smem:$0x3FAB] =	sst s2  }
0xb: {  	[smem:$0x3FAC] =	sst s3  }
0xc: {  	[smem:$0x3FAD] =	sst s4  }
0xd: {  	[smem:$0x3FAE] =	sst s5  }
0xe: {  	[smem:$0x3FAF] =	sst s6  }
0xf: {  	[smem:$0x3FB0] =	sst s7  }
0x10: {  	[smem:$0x3FB1] =	sst s8  }
0x11: {  	[smem:$0x3FB2] =	sst s9;
	s0 =	simm.s32 @!p0 $0x0  }
0x12: {  	s1 =	sld [smem:$0x3F98];
	s0 =	simm.s32 @p0 $0x1  }
0x13: {  	[smem:$0x3FB3] =	sst s0;
	s0 =	simm.s32 @!p1 $0x0  }
0x14: {  	s2 =	sld [smem:$0x3F97];
	s0 =	simm.s32 @p1 $0x1  }
0x15: {  	[smem:$0x3FB4] =	sst s0;
	s0 =	simm.s32 @!p2 $0x0  }
0x16: {  	s3 =	sld [smem:$0x3FDB];
	s0 =	simm.s32 @p2 $0x1  }
0x17: {  	s4 =	simm.s32 $0x1BF5;
	[smem:$0x3FB6] =	sst s0  }
0x18: {  	s0 =	sld [smem:$0x3F99];
	_ =	swait.ge [sflag:s4], $0x0  }
0x19: {  	s7 =	sld [smem:$0x3F9A]  }
0x1a: {  	s8 =	sadd.s32 $0xFFFFE003, lr  }
0x1b: {  	s9 =	sadd.s32 $0xFFFFFEF7, lr;
	s5 =	simm.s32 $0xFFFFFFFF;
	p2 =	slt.u32 s8, $0xFFFFF086  }
0x1c: {  	p1 =	slt.u32 s9, $0xF7A;
	s5 =	simm.s32 @!p2 $0x0  }
0x1d: {  	s5 =	simm.s32 @p1 $0x1;
	p0 =	seq.s32 s7, s2  }
0x1e: {  	s7 =	smul.u32 @!p0 $0xF7A, s2;
	p2 =	seq.s32 @!p0 s5, $0x0  }
0x1f: {  	s9 =	smul.u32 $0xF7A, s1;
	s8 =	simm.s32 @!p0 $0x1BF5;
	p2 =	por !p2, p0  }
0x20: {  	[sflag:s8] =	ssyncset.s32 @!p0 $0xFFFFF086;
	s6 =	sadd.s32 @!p0 s3, s7;
	s7 =	simm.s32 @!p0 $0x108  }
0x21: {  	s3 =	sadd.s32 s3, s9;
	s6 =	sadd.s32 @!p0 $0x88, s6;
	s7 =	simm.s32 @p2 $0x1082  }
0x22: {  	[simem:s7], [sflag:s8] =	dma.local @!p0 [hbm:s6], $0xF7A  }
0x23: {  	s9 =	sor.u32 $0xD0000000, s2;
	s6 =	simm.s32 $0x108;
	_ =	swait.ge @!p0 [sflag:s8], $0x0  }
0x24: {  	s3 =	sadd.s32 $0x88, s3;
	s6 =	simm.s32 @!p1 $0x1082;
	[sflag:s4] =	ssyncset.s32 $0xFFFFF086  }
0x25: {  	[simem:s6], [sflag:s4] =	dma.local [hbm:s3], $0xF7A  }
0x26: {  	[smem:$0x3F9A] =	sst s1;
	(tag) =	ssettag s2;
	_ =	strace s9  }
0x27: {  	s1 =	sld [smem:$0x3FAA]  }
0x28: {  	s2 =	sld [smem:$0x3FAB]  }
0x29: {  	s4 =	sld [smem:$0x3FAD]  }
0x2a: {  	p0 =	seq.s32 s5, $0x0;
	s5 =	sld [smem:$0x3FAE]  }
0x2b: {  	s6 =	sld [smem:$0x3FAF]  }
0x2c: {  	s7 =	sld [smem:$0x3FB0]  }
0x2d: {  	s3 =	simm.s32 $0x108;
	s8 =	sld [smem:$0x3FB1]  }
0x2e: {  	s3 =	simm.s32 @!p0 $0x1082;
	s9 =	sld [smem:$0x3FB2]  }
0x2f: {  	lr =	sadd.s32 s0, s3;
	s0 =	sld [smem:$0x3FA9]  }
0x30: {  	s3 =	sld [smem:$0x3FAC]  }
0x31: {  	[smem:$0x3FB5] =	sst s10  }
0x32: {  	s10 =	sld [smem:$0x3FB3];
	_ =	sdelay $0x3  }
0x33: {  	p0 =	seq.s32 s10, $0x1;
	s10 =	sld [smem:$0x3FB5];
	_ =	sdelay $0x3  }
0x34: {  	[smem:$0x3FB5] =	sst s10  }
0x35: {  	s10 =	sld [smem:$0x3FB4];
	_ =	sdelay $0x3  }
0x36: {  	p1 =	seq.s32 s10, $0x1;
	s10 =	sld [smem:$0x3FB5];
	_ =	sdelay $0x3  }
0x37: {  	[smem:$0x3FB5] =	sst s10  }
0x38: {  	s10 =	sld [smem:$0x3FB6]  }
0x39: {  	_ = 	snop;
	(pc) =	sbr.ind lr, $3  }
0x3a: {  	_ = 	snop  }
0x3b: {  	_ = 	snop  }
0x3c: {  	p2 =	seq.s32 s10, $0x1;
	s10 =	sld [smem:$0x3FB5]  }
0x3d: {  	_ =	shalt  }
0x3e: {  	_ =	shalt  }
0x3f: {  	_ =	shalt  }
0x40: {  	_ =	shalt  }
0x41: {  	_ =	shalt  }
0x42: {  	_ =	shalt  }
0x43: {  	_ =	shalt  }
0x44: {  	_ =	shalt  }
0x45: {  	_ =	shalt  }
0x46: {  	_ =	shalt  }
0x47: {  	_ =	shalt  }
0x48: {  	_ =	shalt  }
0x49: {  	_ =	shalt  }
0x4a: {  	_ =	shalt  }
0x4b: {  	_ =	shalt  }
0x4c: {  	_ =	shalt  }
0x4d: {  	_ =	shalt  }
0x4e: {  	_ =	shalt  }
0x4f: {  	_ =	shalt  }
0x50: {  	_ =	shalt  }
0x51: {  	_ =	shalt  }
0x52: {  	_ =	shalt  }
0x53: {  	_ =	shalt  }
0x54: {  	_ =	shalt  }
0x55: {  	_ =	shalt  }
0x56: {  	_ =	shalt  }
0x57: {  	_ =	shalt  }
0x58: {  	_ =	shalt  }
0x59: {  	_ =	shalt  }
0x5a: {  	_ =	shalt  }
0x5b: {  	_ =	shalt  }
0x5c: {  	_ =	shalt  }
0x5d: {  	_ =	shalt  }
0x5e: {  	_ =	shalt  }
0x5f: {  	_ =	shalt  }
0x60: {  	_ =	shalt  }
0x61: {  	_ =	shalt  }
0x62: {  	_ =	shalt  }
0x63: {  	_ =	shalt  }
0x64: {  	_ =	shalt  }
0x65: {  	_ =	shalt  }
0x66: {  	_ =	shalt  }
0x67: {  	_ =	shalt  }
0x68: {  	_ =	shalt  }
0x69: {  	_ =	shalt  }
0x6a: {  	_ =	shalt  }
0x6b: {  	_ =	shalt  }
0x6c: {  	_ =	shalt  }
0x6d: {  	_ =	shalt  }
0x6e: {  	_ =	shalt  }
0x6f: {  	_ =	shalt  }
0x70: {  	_ =	shalt  }
0x71: {  	_ =	shalt  }
0x72: {  	_ =	shalt  }
0x73: {  	_ =	shalt  }
0x74: {  	_ =	shalt  }
0x75: {  	_ =	shalt  }
0x76: {  	_ =	shalt  }
0x77: {  	_ =	shalt  }
0x78: {  	_ =	shalt  }
0x79: {  	_ =	shalt  }
0x7a: {  	_ =	shalt  }
0x7b: {  	_ =	shalt  }
0x7c: {  	_ =	shalt  }
0x7d: {  	_ =	shalt  }
0x7e: {  	_ =	shalt  }
0x7f: {  	_ =	shalt  }
0x80: {  	_ =	shalt  }
0x81: {  	_ =	shalt  }
0x82: {  	_ =	shalt  }
0x83: {  	_ =	shalt  }
0x84: {  	_ =	shalt  }
0x85: {  	_ =	shalt  }
0x86: {  	_ =	shalt  }
0x87: {  	_ =	shalt  }
.Lfunc_end0:
.L_simem_size_0:
called_computation_lowered:
.L_overlay_start_0:
0x88: {  	s2 =	sld [smem:$0x3FD9]  }
0x89: {  	s3 =	sld [smem:$0x3FFE];
	_ =	sdelay $0x1  }
0x8a: {  	s1 =	srdreg.scid  }
0x8b: {  	s0 =	sand.u32 $0x1, s1  }
0x8c: {  	s17 =	sshll.u32 s0, $0xA;
	s2 =	sadd.s32 s3, s2  }
0x8d: {  	s2 =	sadd.s32 s2, s17  }
0x8e: {  	[smem:$0x3FC1] =	sst s2  }
0x8f: {  	_ = 	snop  }
0x90: {  	s2 =	sld [smem:$0x3FC9];
	(tm) =	ssettm $0x1  }
0x91: {  	s18 =	sld [smem:$0x3FFB];
	_ =	sdelay $0x3  }
0x92: {  	_ =	strace s18  }
0x93: {  	s3 =	sld [smem:$0x3FFC];
	_ =	sdelay $0x3  }
0x94: {  	_ =	strace s3  }
0x95: {  	s3 =	sld [smem:$0x3FFD];
	_ =	sdelay $0x3  }
0x96: {  	_ =	strace s3  }
0x97: {  	_ =	strace $0x8FFFFFFF  }
0x98: {  	s19 =	sld [smem:$0x3FDB];
	_ =	sdelay $0x1  }
0x99: {  	s4 =	simm.s32 $_scs_section_size  }
0x9a: {  	s5 =	simm.s32 $_size__tile_overlayer_lowered;
	s6 =	simm.s32 $_tile_overlayer_lowered  }
0x9b: {  	s22 =	simm.s32 $0x1BFF;
	s21 =	sshll.u32 s6, $0x1;
	s3 =	sadd.s32 s4, s19  }
0x9c: {  	s7 =	simm.s32 $0x0;
	s20 =	sshll.u32 s5, $0x1;
	s5 =	sadd.s32 s21, s3  }
0x9d: {  	[timem:s7], [sflag:s22] =	dma.local [hbm:s5], s20  }
0x9e: {  	_ =	swait.ge [sflag:s22], s20  }
0x9f: {  	s4 =	ssub.s32 $0x0, s20;
	[sflag:s22] =	ssyncset.done $0x0  }
0xa0: {  	[sflag:s22] =	ssyncadd.s32 s4;
	_ =	sdelay $0x1  }
0xa1: {  	s23 =	simm.s32 $0x1B8B  }
0xa2: {  	_ =	swait.ge [sflag:s23], $0x1  }
0xa3: {  	[sflag:s23] =	ssyncset.done $0x0  }
0xa4: {  	s25 =	simm.s32 $0x1B8E;
	s24 =	sld [smem:$0x3FFE];
	[sflag:s23] =	ssyncadd.s32 $0xFFFFFFFF  }
0xa5: {  	s26 =	simm.s32 $execute0_lowered;
	[smem:$0x3FD2] =	sst s25  }
0xa6: {  	s5 =	sshll.u32 s26, $0x1;
	_ =	strace $0x80000046;
	[dreg:$0x1] =	wrdreg $0xFFFFFFFF  }
0xa7: {  	s28 =	simm.s32 $_size_execute0_lowered;
	s3 =	sadd.s32 s3, s5;
	[dreg:$0x0] =	wrdreg $0x0  }
0xa8: {  	s5 =	sshll.u32 s28, $0x1;
	[dreg:$0x2] =	wrdreg s3  }
0xa9: {  	[dreg:$0x3] =	wrdreg s5  }
0xaa: {  	[dreg:$0x4] =	wrdreg $0xC0  }
0xab: {  	_ =	task [dreg:s7], $0x5FFFF  }
0xac: {  	[dreg:$0x1] =	wrdreg $0xFFFFFFFF  }
0xad: {  	[dreg:$0x0] =	wrdreg $0x60  }
0xae: {  	[dreg:$0x2] =	wrdreg s2  }
0xaf: {  	[dreg:$0x3] =	wrdreg s24  }
0xb0: {  	[dreg:$0x4] =	wrdreg $0x9  }
0xb1: {  	_ =	task.clear_ibuf [dreg:s7], $0x5FFFF;
	_ =	strace $0x90000046  }
0xb2: {  	s29 =	simm.s32 $0x9;
	_ =	strace $0x80000048  }
0xb3: {  	_ =	swait.ge [sflag:s29], $0x1  }
0xb4: {  	[sflag:s29] =	ssyncadd.s32 $0xFFFFFFFF  }
0xb5: {  	_ =	strace $0x90000048  }
0xb6: {  	_ =	sfence  }
0xb7: {  	s30 =	sld [smem:$0x0];
	_ =	sdelay $0x2  }
0xb8: {  	s31 =	sshll.u32 s1, $0xD;
	s1 =	sshrl.u32 s1, $0x2  }
0xb9: {  	s3 =	sand.u32 $0x4000, s31;
	s1 =	sadd.s32 s1, s30  }
0xba: {  	s0 =	sor.u32 s3, s0;
	s1 =	sshll.u32 s1, $0x11  }
0xbb: {  	s0 =	sor.u32 s1, s0  }
0xbc: {  	s0 =	sadd.s32 $0x8F2B, s0  }
0xbd: {  	[sflag:s0] =	ssyncadd.remote.s32 $0x1  }
0xbe: {  	_ =	sfence.sel $0xFFFF  }
0xbf: {  	[dreg:$0x0] =	wrdreg $0xFFFFFFFF;
	(pc) =	sbr.abs _section_cstart, $3  }
0xc0: {  	[dreg:$0x1] =	wrdreg $0xFFFFFFFF  }
0xc1: {  	_ =	task.clear_ibuf [dreg:s7], $0x2FFFF;
	_ =	strace $0x9FFFFFFF  }
0xc2: {  	(tm) =	ssettm $0x7FFFFFFF  }
0xc3: {  	_ =	shalt  }
tec
execute0_lowered:
.L_overlay_start_1:
0x0: {  	(tag) =	ssettag $0x1  }
0x1: {  	s0 =	rddreg [dreg:$0x0]  }
0x2: {  	s1 =	rddreg [dreg:$0x1]  }
0x3: {  	s2 =	srdreg.scid;
	s3 =	stileid.u32;
	s26 =	simm.s32 $0x80  }
0x4: {  	s10 =	simm.s32 $0x2;
	s9 =	simm.s32 $0x100;
	s14 =	simm.s32 $0x2100  }
0x5: {  	s15 =	simm.s32 $0x2900;
	s16 =	simm.s32 $0x3100;
	s17 =	simm.s32 $0x3900  }
0x6: {  	s18 =	simm.s32 $0x4100;
	s19 =	simm.s32 $0x4900;
	s20 =	simm.s32 $0x5100  }
0x7: {  	s21 =	simm.s32 $0x5900;
	s22 =	simm.s32 $0x6100;
	s23 =	simm.s32 $0x6900  }
0x8: {  	s24 =	simm.s32 $0x7100;
	s28 =	simm.s32 $0x8900;
	s29 =	simm.s32 $0x9100  }
0x9: {  	s30 =	simm.s32 $0x9900;
	s31 =	simm.s32 $0xA100;
	s4 =	sand.u32 $0x1, s2  }
0xa: {  	s2 =	simm.s32 $0x0;
	s3 =	sshll.u32 s3, $0x4;
	s5 =	sshll.u32 s4, $0x3  }
0xb: {  	[smem:$0x7FF] =	sst s2;
	s4 =	ssub.s32 $0x2, s4;
	s5 =	sor.u32 s5, s3  }
0xc: {  	_ =	strace $0x80000047;
	s3 =	sadd.s32 $0x2400, s1;
	s8 =	sshrl.u32 s4, $0x1  }
0xd: {  	[dreg:$0x6] =	wrdreg s26;
	s26 =	simm.s32 $0x8100;
	s6 =	sadd.s32 s5, s1  }
0xe: {  	s5 =	smul.u32 $0x300, s5;
	s25 =	ssub.s32 s4, s8;
	s7 =	sadd.s32 $0x1C00, s6  }
0xf: {  	s4 =	sadd.s32 $0x2500, s1;
	s6 =	sadd.s32 $0x1E00, s6;
	[dreg:$0x3] =	wrdreg s7  }
0x10: {  	v2 =	vlaneseq.u32;
	s8 =	simm.s32 $0x1;
	[dreg:$0x4] =	wrdreg s6;
	s0 =	sadd.s32 s0, s5  }
0x11: {  	vm0 =	vmmov $0xffff;
	v1 =	vshrl.u32 v2, $0x3;
	s5 =	sadd.s32 $0x2600, s1;
	s6 =	smax.u32 s25, $0x1;
	s25 =	simm.s32 $0x7900  }
0x12: {  	v0 =	vand.u32 $0x7, v2;
	v2 =	vor.u32 $0x8, v2;
	v1 =	vmul.u32 $0x8, v1;
	s1 =	simm.s32 $0xB100;
	s7 =	simm.s32 $0xB900;
	[dreg:$0x5] =	wrdreg s0  }
.LBB2_1:
0x13: {  	s11 =	rddreg [dreg:$0x3]  }
0x14: {  	s12 =	rddreg [dreg:$0x4]  }
0x15: {  	[tilespmem:s2], [sflag:$0x1] =	stream.linear.gather [hbm4b:s11+s2], $0x40, $0x38;
	[tilespmem:$0xC100] =	vst v63  }
0x16: {  	s13 =	rddreg [dreg:$0x6]  }
0x17: {  	[tilespmem:s13], [sflag:$0x2] =	stream.linear.gather [hbm4b:s12+s2], $0x40, $0x38;
	[tilespmem:$0xC100] =	vst v63  }
0x18: {  	s0 =	rddreg [dreg:$0x5]  }
0x19: {  	[tilespmem:s9], [sflag:$0x3] =	stream.linear.gather [hbm4b:s0+s2], $0xC000, $0x38;
	[tilespmem:$0xC100] =	vst v63  }
0x1a: {  	_ =	swait.ge [sflag:s8], $0x40  }
0x1b: {  	[sflag:s8] =	ssyncset.done $0x0  }
0x1c: {  	s0 =	simm.s32 $0x3;
	[sflag:s8] =	ssyncadd.s32 $0xFFFFFFC0  }
0x1d: {  	_ =	swait.ge [sflag:s0], $0xC000  }
0x1e: {  	[sflag:s0] =	ssyncset.done $0x0  }
0x1f: {  	[sflag:s0] =	ssyncadd.s32 $0xFFFF4000  }
0x20: {  	v3 =	vld [tilespmem:$0x0];
	_ =	sdelay $0x4  }
0x21: {  	v4 =	vshrl.u32 v3, $0x3  }
0x22: {  	v4 =	vmul.u32 $0x30, v4  }
0x23: {  	v3 =	vand.u32 $0x7, v3  }
0x24: {  	v3 =	vor.u32 v3, v4  }
0x25: {  	v4 =	vperm.xlane v3, v0;
	_ =	sdelay $0x1  }
0x26: {  	v4 =	vadd.s32 v1, v4;
	_ =	sdelay $0x3  }
0x27: {  	v3 =	vperm.xlane v3, v2  }
0x28: {  	[hbm4b:s3+s2] =	stream.indirect_vreg.scatter [tilespmem:s9], [sflag:$0x1], $0x80, v4, vm0, $0xb8;
	[tilespmem:$0xC100] =	vst v63  }
0x29: {  	s11 =	simm.s32 $0x900;
	v3 =	vadd.s32 v1, v3  }
0x2a: {  	[hbm4b:s4+s2] =	stream.indirect_vreg.scatter [tilespmem:s11], [sflag:$0x1], $0x80, v4, vm0, $0xb8;
	[tilespmem:$0xC100] =	vst v63  }
0x2b: {  	s12 =	simm.s32 $0x1100  }
0x2c: {  	[hbm4b:s5+s2] =	stream.indirect_vreg.scatter [tilespmem:s12], [sflag:$0x1], $0x80, v4, vm0, $0xb8;
	[tilespmem:$0xC100] =	vst v63  }
0x2d: {  	s13 =	simm.s32 $0x1900  }
0x2e: {  	[hbm4b:s3+s2] =	stream.indirect_vreg.scatter [tilespmem:s13], [sflag:$0x1], $0x80, v3, vm0, $0xb8;
	[tilespmem:$0xC100] =	vst v63  }
0x2f: {  	_ = 	snop  }
0x30: {  	[hbm4b:s4+s2] =	stream.indirect_vreg.scatter [tilespmem:s14], [sflag:$0x1], $0x80, v3, vm0, $0xb8;
	[tilespmem:$0xC100] =	vst v63  }
0x31: {  	_ = 	snop  }
0x32: {  	[hbm4b:s5+s2] =	stream.indirect_vreg.scatter [tilespmem:s15], [sflag:$0x1], $0x80, v3, vm0, $0xb8;
	[tilespmem:$0xC100] =	vst v63  }
0x33: {  	v3 =	vld [tilespmem:$0x10];
	_ =	sdelay $0x4  }
0x34: {  	v57 =	vshrl.u32 v3, $0x3  }
0x35: {  	v4 =	vmul.u32 $0x30, v57  }
0x36: {  	v3 =	vand.u32 $0x7, v3  }
0x37: {  	v3 =	vor.u32 v3, v4  }
0x38: {  	v4 =	vperm.xlane v3, v0;
	_ =	sdelay $0x1  }
0x39: {  	v4 =	vadd.s32 v1, v4;
	_ =	sdelay $0x3  }
0x3a: {  	v3 =	vperm.xlane v3, v2  }
0x3b: {  	[hbm4b:s3+s2] =	stream.indirect_vreg.scatter [tilespmem:s16], [sflag:$0x1], $0x80, v4, vm0, $0xb8;
	[tilespmem:$0xC100] =	vst v63  }
0x3c: {  	v3 =	vadd.s32 v1, v3  }
0x3d: {  	[hbm4b:s4+s2] =	stream.indirect_vreg.scatter [tilespmem:s17], [sflag:$0x1], $0x80, v4, vm0, $0xb8;
	[tilespmem:$0xC100] =	vst v63  }
0x3e: {  	_ = 	snop  }
0x3f: {  	[hbm4b:s5+s2] =	stream.indirect_vreg.scatter [tilespmem:s18], [sflag:$0x1], $0x80, v4, vm0, $0xb8;
	[tilespmem:$0xC100] =	vst v63  }
0x40: {  	_ = 	snop  }
0x41: {  	[hbm4b:s3+s2] =	stream.indirect_vreg.scatter [tilespmem:s19], [sflag:$0x1], $0x80, v3, vm0, $0xb8;
	[tilespmem:$0xC100] =	vst v63  }
0x42: {  	_ = 	snop  }
0x43: {  	[hbm4b:s4+s2] =	stream.indirect_vreg.scatter [tilespmem:s20], [sflag:$0x1], $0x80, v3, vm0, $0xb8;
	[tilespmem:$0xC100] =	vst v63  }
0x44: {  	_ = 	snop  }
0x45: {  	[hbm4b:s5+s2] =	stream.indirect_vreg.scatter [tilespmem:s21], [sflag:$0x1], $0x80, v3, vm0, $0xb8;
	[tilespmem:$0xC100] =	vst v63  }
0x46: {  	v3 =	vld [tilespmem:$0x20];
	_ =	sdelay $0x4  }
0x47: {  	v58 =	vshrl.u32 v3, $0x3  }
0x48: {  	v4 =	vmul.u32 $0x30, v58  }
0x49: {  	v3 =	vand.u32 $0x7, v3  }
0x4a: {  	v3 =	vor.u32 v3, v4  }
0x4b: {  	v4 =	vperm.xlane v3, v0;
	_ =	sdelay $0x1  }
0x4c: {  	v4 =	vadd.s32 v1, v4;
	_ =	sdelay $0x3  }
0x4d: {  	v3 =	vperm.xlane v3, v2  }
0x4e: {  	[hbm4b:s3+s2] =	stream.indirect_vreg.scatter [tilespmem:s22], [sflag:$0x1], $0x80, v4, vm0, $0xb8;
	[tilespmem:$0xC100] =	vst v63  }
0x4f: {  	v3 =	vadd.s32 v1, v3  }
0x50: {  	[hbm4b:s4+s2] =	stream.indirect_vreg.scatter [tilespmem:s23], [sflag:$0x1], $0x80, v4, vm0, $0xb8;
	[tilespmem:$0xC100] =	vst v63  }
0x51: {  	_ = 	snop  }
0x52: {  	[hbm4b:s5+s2] =	stream.indirect_vreg.scatter [tilespmem:s24], [sflag:$0x1], $0x80, v4, vm0, $0xb8;
	[tilespmem:$0xC100] =	vst v63  }
0x53: {  	_ = 	snop  }
0x54: {  	[hbm4b:s3+s2] =	stream.indirect_vreg.scatter [tilespmem:s25], [sflag:$0x1], $0x80, v3, vm0, $0xb8;
	[tilespmem:$0xC100] =	vst v63  }
0x55: {  	_ = 	snop  }
0x56: {  	[hbm4b:s4+s2] =	stream.indirect_vreg.scatter [tilespmem:s26], [sflag:$0x1], $0x80, v3, vm0, $0xb8;
	[tilespmem:$0xC100] =	vst v63  }
0x57: {  	_ = 	snop  }
0x58: {  	[hbm4b:s5+s2] =	stream.indirect_vreg.scatter [tilespmem:s28], [sflag:$0x1], $0x80, v3, vm0, $0xb8;
	[tilespmem:$0xC100] =	vst v63  }
0x59: {  	v3 =	vld [tilespmem:$0x30];
	_ =	sdelay $0x4  }
0x5a: {  	v59 =	vshrl.u32 v3, $0x3  }
0x5b: {  	v4 =	vmul.u32 $0x30, v59  }
0x5c: {  	v3 =	vand.u32 $0x7, v3  }
0x5d: {  	v3 =	vor.u32 v3, v4  }
0x5e: {  	v4 =	vperm.xlane v3, v0;
	_ =	sdelay $0x1  }
0x5f: {  	v4 =	vadd.s32 v1, v4;
	_ =	sdelay $0x3  }
0x60: {  	v3 =	vperm.xlane v3, v2  }
0x61: {  	[hbm4b:s3+s2] =	stream.indirect_vreg.scatter [tilespmem:s29], [sflag:$0x1], $0x80, v4, vm0, $0xb8;
	[tilespmem:$0xC100] =	vst v63  }
0x62: {  	v3 =	vadd.s32 v1, v3  }
0x63: {  	[hbm4b:s4+s2] =	stream.indirect_vreg.scatter [tilespmem:s30], [sflag:$0x1], $0x80, v4, vm0, $0xb8;
	[tilespmem:$0xC100] =	vst v63  }
0x64: {  	_ = 	snop  }
0x65: {  	[hbm4b:s5+s2] =	stream.indirect_vreg.scatter [tilespmem:s31], [sflag:$0x1], $0x80, v4, vm0, $0xb8;
	[tilespmem:$0xC100] =	vst v63  }
0x66: {  	s0 =	simm.s32 $0xA900  }
0x67: {  	[hbm4b:s3+s2] =	stream.indirect_vreg.scatter [tilespmem:s0], [sflag:$0x1], $0x80, v3, vm0, $0xb8;
	[tilespmem:$0xC100] =	vst v63  }
0x68: {  	_ = 	snop  }
0x69: {  	[hbm4b:s4+s2] =	stream.indirect_vreg.scatter [tilespmem:s1], [sflag:$0x1], $0x80, v3, vm0, $0xb8;
	[tilespmem:$0xC100] =	vst v63  }
0x6a: {  	_ = 	snop  }
0x6b: {  	[hbm4b:s5+s2] =	stream.indirect_vreg.scatter [tilespmem:s7], [sflag:$0x1], $0x80, v3, vm0, $0xb8;
	[tilespmem:$0xC100] =	vst v63  }
0x6c: {  	_ =	swait.ge [sflag:s10], $0x40  }
0x6d: {  	[sflag:s10] =	ssyncset.done $0x0  }
0x6e: {  	[sflag:s10] =	ssyncadd.s32 $0xFFFFFFC0  }
0x6f: {  	v3 =	vld [tilespmem:$0x80];
	_ =	sdelay $0x4  }
0x70: {  	v60 =	vshrl.u32 v3, $0x3  }
0x71: {  	v4 =	vmul.u32 $0x30, v60  }
0x72: {  	v3 =	vand.u32 $0x7, v3  }
0x73: {  	v3 =	vor.u32 v3, v4  }
0x74: {  	v4 =	vperm.xlane v3, v0;
	_ =	sdelay $0x1  }
0x75: {  	v4 =	vadd.s32 v1, v4;
	_ =	sdelay $0x3  }
0x76: {  	v3 =	vperm.xlane v3, v2  }
0x77: {  	[hbm4b:s3+s2] =	stream.indirect_vreg.scatter [tilespmem:s9], [sflag:$0x2], $0x80, v4, vm0, $0xb8;
	[tilespmem:$0xC100] =	vst v63  }
0x78: {  	v3 =	vadd.s32 v1, v3  }
0x79: {  	[hbm4b:s4+s2] =	stream.indirect_vreg.scatter [tilespmem:s11], [sflag:$0x2], $0x80, v4, vm0, $0xb8;
	[tilespmem:$0xC100] =	vst v63  }
0x7a: {  	_ = 	snop  }
0x7b: {  	[hbm4b:s5+s2] =	stream.indirect_vreg.scatter [tilespmem:s12], [sflag:$0x2], $0x80, v4, vm0, $0xb8;
	[tilespmem:$0xC100] =	vst v63  }
0x7c: {  	_ = 	snop  }
0x7d: {  	[hbm4b:s3+s2] =	stream.indirect_vreg.scatter [tilespmem:s13], [sflag:$0x2], $0x80, v3, vm0, $0xb8;
	[tilespmem:$0xC100] =	vst v63  }
0x7e: {  	_ = 	snop  }
0x7f: {  	[hbm4b:s4+s2] =	stream.indirect_vreg.scatter [tilespmem:s14], [sflag:$0x2], $0x80, v3, vm0, $0xb8;
	[tilespmem:$0xC100] =	vst v63  }
0x80: {  	_ = 	snop  }
0x81: {  	[hbm4b:s5+s2] =	stream.indirect_vreg.scatter [tilespmem:s15], [sflag:$0x2], $0x80, v3, vm0, $0xb8;
	[tilespmem:$0xC100] =	vst v63  }
0x82: {  	v3 =	vld [tilespmem:$0x90];
	_ =	sdelay $0x4  }
0x83: {  	v61 =	vshrl.u32 v3, $0x3  }
0x84: {  	v4 =	vmul.u32 $0x30, v61  }
0x85: {  	v3 =	vand.u32 $0x7, v3  }
0x86: {  	v3 =	vor.u32 v3, v4  }
0x87: {  	v4 =	vperm.xlane v3, v0;
	_ =	sdelay $0x1  }
0x88: {  	v4 =	vadd.s32 v1, v4;
	_ =	sdelay $0x3  }
0x89: {  	v3 =	vperm.xlane v3, v2  }
0x8a: {  	[hbm4b:s3+s2] =	stream.indirect_vreg.scatter [tilespmem:s16], [sflag:$0x2], $0x80, v4, vm0, $0xb8;
	[tilespmem:$0xC100] =	vst v63  }
0x8b: {  	v3 =	vadd.s32 v1, v3  }
0x8c: {  	[hbm4b:s4+s2] =	stream.indirect_vreg.scatter [tilespmem:s17], [sflag:$0x2], $0x80, v4, vm0, $0xb8;
	[tilespmem:$0xC100] =	vst v63  }
0x8d: {  	_ = 	snop  }
0x8e: {  	[hbm4b:s5+s2] =	stream.indirect_vreg.scatter [tilespmem:s18], [sflag:$0x2], $0x80, v4, vm0, $0xb8;
	[tilespmem:$0xC100] =	vst v63  }
0x8f: {  	_ = 	snop  }
0x90: {  	[hbm4b:s3+s2] =	stream.indirect_vreg.scatter [tilespmem:s19], [sflag:$0x2], $0x80, v3, vm0, $0xb8;
	[tilespmem:$0xC100] =	vst v63  }
0x91: {  	_ = 	snop  }
0x92: {  	[hbm4b:s4+s2] =	stream.indirect_vreg.scatter [tilespmem:s20], [sflag:$0x2], $0x80, v3, vm0, $0xb8;
	[tilespmem:$0xC100] =	vst v63  }
0x93: {  	_ = 	snop  }
0x94: {  	[hbm4b:s5+s2] =	stream.indirect_vreg.scatter [tilespmem:s21], [sflag:$0x2], $0x80, v3, vm0, $0xb8;
	[tilespmem:$0xC100] =	vst v63  }
0x95: {  	v3 =	vld [tilespmem:$0xA0];
	_ =	sdelay $0x4  }
0x96: {  	v62 =	vshrl.u32 v3, $0x3  }
0x97: {  	v4 =	vmul.u32 $0x30, v62  }
0x98: {  	v3 =	vand.u32 $0x7, v3  }
0x99: {  	v3 =	vor.u32 v3, v4  }
0x9a: {  	v4 =	vperm.xlane v3, v0;
	_ =	sdelay $0x1  }
0x9b: {  	v4 =	vadd.s32 v1, v4;
	_ =	sdelay $0x3  }
0x9c: {  	v3 =	vperm.xlane v3, v2  }
0x9d: {  	[hbm4b:s3+s2] =	stream.indirect_vreg.scatter [tilespmem:s22], [sflag:$0x2], $0x80, v4, vm0, $0xb8;
	[tilespmem:$0xC100] =	vst v63  }
0x9e: {  	v3 =	vadd.s32 v1, v3  }
0x9f: {  	[hbm4b:s4+s2] =	stream.indirect_vreg.scatter [tilespmem:s23], [sflag:$0x2], $0x80, v4, vm0, $0xb8;
	[tilespmem:$0xC100] =	vst v63  }
0xa0: {  	_ = 	snop  }
0xa1: {  	[hbm4b:s5+s2] =	stream.indirect_vreg.scatter [tilespmem:s24], [sflag:$0x2], $0x80, v4, vm0, $0xb8;
	[tilespmem:$0xC100] =	vst v63  }
0xa2: {  	_ = 	snop  }
0xa3: {  	[hbm4b:s3+s2] =	stream.indirect_vreg.scatter [tilespmem:s25], [sflag:$0x2], $0x80, v3, vm0, $0xb8;
	[tilespmem:$0xC100] =	vst v63  }
0xa4: {  	_ = 	snop  }
0xa5: {  	[hbm4b:s4+s2] =	stream.indirect_vreg.scatter [tilespmem:s26], [sflag:$0x2], $0x80, v3, vm0, $0xb8;
	[tilespmem:$0xC100] =	vst v63  }
0xa6: {  	_ = 	snop  }
0xa7: {  	[hbm4b:s5+s2] =	stream.indirect_vreg.scatter [tilespmem:s28], [sflag:$0x2], $0x80, v3, vm0, $0xb8;
	[tilespmem:$0xC100] =	vst v63  }
0xa8: {  	v3 =	vld [tilespmem:$0xB0];
	_ =	sdelay $0x4  }
0xa9: {  	v63 =	vshrl.u32 v3, $0x3  }
0xaa: {  	v4 =	vmul.u32 $0x30, v63  }
0xab: {  	v3 =	vand.u32 $0x7, v3  }
0xac: {  	v3 =	vor.u32 v3, v4  }
0xad: {  	v4 =	vperm.xlane v3, v0;
	_ =	sdelay $0x1  }
0xae: {  	v4 =	vadd.s32 v1, v4;
	_ =	sdelay $0x3  }
0xaf: {  	v3 =	vperm.xlane v3, v2  }
0xb0: {  	[hbm4b:s3+s2] =	stream.indirect_vreg.scatter [tilespmem:s29], [sflag:$0x2], $0x80, v4, vm0, $0xb8;
	[tilespmem:$0xC100] =	vst v63  }
0xb1: {  	v3 =	vadd.s32 v1, v3  }
0xb2: {  	[hbm4b:s4+s2] =	stream.indirect_vreg.scatter [tilespmem:s30], [sflag:$0x2], $0x80, v4, vm0, $0xb8;
	[tilespmem:$0xC100] =	vst v63  }
0xb3: {  	_ = 	snop  }
0xb4: {  	[hbm4b:s5+s2] =	stream.indirect_vreg.scatter [tilespmem:s31], [sflag:$0x2], $0x80, v4, vm0, $0xb8;
	[tilespmem:$0xC100] =	vst v63  }
0xb5: {  	_ = 	snop  }
0xb6: {  	[hbm4b:s3+s2] =	stream.indirect_vreg.scatter [tilespmem:s0], [sflag:$0x2], $0x80, v3, vm0, $0xb8;
	[tilespmem:$0xC100] =	vst v63  }
0xb7: {  	_ = 	snop  }
0xb8: {  	[hbm4b:s4+s2] =	stream.indirect_vreg.scatter [tilespmem:s1], [sflag:$0x2], $0x80, v3, vm0, $0xb8;
	[tilespmem:$0xC100] =	vst v63  }
0xb9: {  	_ = 	snop  }
0xba: {  	[hbm4b:s5+s2] =	stream.indirect_vreg.scatter [tilespmem:s7], [sflag:$0x2], $0x80, v3, vm0, $0xb8;
	[tilespmem:$0xC100] =	vst v63  }
0xbb: {  	p0 =	sne.s32 s6, $0x1;
	_ =	swait.ge [sflag:s8], $0xC000  }
.Ltmp0:
0xbc: {  	[sflag:s8] =	ssyncset.done $0x0;
	(pc) =	sbr.rel @p0 .LBB2_1-.Ltmp0, $4  }
0xbd: {  	[sflag:s8] =	ssyncadd.s32 $0xFFFF4000  }
0xbe: {  	_ =	swait.ge [sflag:s10], $0xC000  }
0xbf: {  	[sflag:s10] =	ssyncset.done $0x0  }
0xc0: {  	s6 =	sadd.s32 $0xFFFFFFFF, s6;
	[sflag:s10] =	ssyncadd.s32 $0xFFFF4000  }
0xc1: {  	_ =	sfence.sel $0x180000  }
0xc2: {  	[bflag:$0x0] =	sbarrier.arrive $0xFFFF  }
0xc3: {  	_ =	strace $0x90000047  }
0xc4: {  	s0 =	stileid.u32;
	[bflag:$0x2] =	sbarrier.arrive $0xFFFF  }
0xc5: {  	p0 =	sne.s32 s0, $0x0;
	s0 =	rddreg [dreg:$0x2]  }
0xc6: {  	s0 =	sadd.s32 @!p0 $0x100000, s0  }
0xc7: {  	[sflag:s0] =	ssyncadd.tile.s32 @!p0 $0x1;
	_ =	shalt  }
.Lfunc_end2:
_tile_overlayer_lowered:
.L_overlay_start_2:
0xc8: {  	(tag) =	ssettag $0x2  }
0xc9: {  	s0 =	rddreg [dreg:$0x0];
	s2 =	stileid.u32  }
0xca: {  	s1 =	rddreg [dreg:$0x1];
	p0 =	sne.s32 s2, $0x0  }
0xcb: {  	s3 =	rddreg [dreg:$0x2];
	[bflag:$0x3] =	sbarrier.arrive $0xFFFF;
	s2 =	simm.s32 @!p0 $0x1C04  }
0xcc: {  	[timem:s3], [sflag:s2] =	dma.local @!p0 [hbm:s0], s1  }
0xcd: {  	s0 =	simm.s32 @!p0 $0x4  }
0xce: {  	_ =	swait.ge @!p0 [sflag:s0], s1  }
0xcf: {  	s1 =	ssub.s32 @!p0 $0x0, s1;
	[sflag:s0] =	ssyncset.done @!p0 $0x0  }
0xd0: {  	[sflag:s0] =	ssyncadd.s32 @!p0 s1  }
0xd1: {  	[bflag:$0x3] =	sbarrier.arrive $0xFFFF  }
0xd2: {  	_ =	shalt  }

// kernel: kernel.9.cloned.1.call-start
scs
__scs_entry_jumppad:
0x0: {  	(pc) =	sbr.rel $0x88, $3  }
0x1: {  	(tag) =	ssettag $0x0;
	lr =	simm.s32 $0x1  }
0x2: {  	[smem:$0x3F9A] =	sst lr;
	_ =	strace $0xD0000000  }
0x3: {  	_ = 	snop  }
0x4: {  	_ = 	snop  }
0x5: {  	_ = 	snop  }
0x6: {  	_ = 	snop  }
0x7: {  	_ = 	snop  }
__scs_overlays_trampoline_lowered:
0x8: {  	[smem:$0x3FA9] =	sst s0  }
0x9: {  	[smem:$0x3FAA] =	sst s1  }
0xa: {  	[smem:$0x3FAB] =	sst s2  }
0xb: {  	[smem:$0x3FAC] =	sst s3  }
0xc: {  	[smem:$0x3FAD] =	sst s4  }
0xd: {  	[smem:$0x3FAE] =	sst s5  }
0xe: {  	[smem:$0x3FAF] =	sst s6  }
0xf: {  	[smem:$0x3FB0] =	sst s7  }
0x10: {  	[smem:$0x3FB1] =	sst s8  }
0x11: {  	[smem:$0x3FB2] =	sst s9;
	s0 =	simm.s32 @!p0 $0x0  }
0x12: {  	s1 =	sld [smem:$0x3F98];
	s0 =	simm.s32 @p0 $0x1  }
0x13: {  	[smem:$0x3FB3] =	sst s0;
	s0 =	simm.s32 @!p1 $0x0  }
0x14: {  	s2 =	sld [smem:$0x3F97];
	s0 =	simm.s32 @p1 $0x1  }
0x15: {  	[smem:$0x3FB4] =	sst s0;
	s0 =	simm.s32 @!p2 $0x0  }
0x16: {  	s3 =	sld [smem:$0x3FDB];
	s0 =	simm.s32 @p2 $0x1  }
0x17: {  	s4 =	simm.s32 $0x1BF5;
	[smem:$0x3FB6] =	sst s0  }
0x18: {  	s0 =	sld [smem:$0x3F99];
	_ =	swait.ge [sflag:s4], $0x0  }
0x19: {  	s7 =	sld [smem:$0x3F9A]  }
0x1a: {  	s8 =	sadd.s32 $0xFFFFE003, lr  }
0x1b: {  	s9 =	sadd.s32 $0xFFFFFEF7, lr;
	s5 =	simm.s32 $0xFFFFFFFF;
	p2 =	slt.u32 s8, $0xFFFFF086  }
0x1c: {  	p1 =	slt.u32 s9, $0xF7A;
	s5 =	simm.s32 @!p2 $0x0  }
0x1d: {  	s5 =	simm.s32 @p1 $0x1;
	p0 =	seq.s32 s7, s2  }
0x1e: {  	s7 =	smul.u32 @!p0 $0xF7A, s2;
	p2 =	seq.s32 @!p0 s5, $0x0  }
0x1f: {  	s9 =	smul.u32 $0xF7A, s1;
	s8 =	simm.s32 @!p0 $0x1BF5;
	p2 =	por !p2, p0  }
0x20: {  	[sflag:s8] =	ssyncset.s32 @!p0 $0xFFFFF086;
	s6 =	sadd.s32 @!p0 s3, s7;
	s7 =	simm.s32 @!p0 $0x108  }
0x21: {  	s3 =	sadd.s32 s3, s9;
	s6 =	sadd.s32 @!p0 $0x88, s6;
	s7 =	simm.s32 @p2 $0x1082  }
0x22: {  	[simem:s7], [sflag:s8] =	dma.local @!p0 [hbm:s6], $0xF7A  }
0x23: {  	s9 =	sor.u32 $0xD0000000, s2;
	s6 =	simm.s32 $0x108;
	_ =	swait.ge @!p0 [sflag:s8], $0x0  }
0x24: {  	s3 =	sadd.s32 $0x88, s3;
	s6 =	simm.s32 @!p1 $0x1082;
	[sflag:s4] =	ssyncset.s32 $0xFFFFF086  }
0x25: {  	[simem:s6], [sflag:s4] =	dma.local [hbm:s3], $0xF7A  }
0x26: {  	[smem:$0x3F9A] =	sst s1;
	(tag) =	ssettag s2;
	_ =	strace s9  }
0x27: {  	s1 =	sld [smem:$0x3FAA]  }
0x28: {  	s2 =	sld [smem:$0x3FAB]  }
0x29: {  	s4 =	sld [smem:$0x3FAD]  }
0x2a: {  	p0 =	seq.s32 s5, $0x0;
	s5 =	sld [smem:$0x3FAE]  }
0x2b: {  	s6 =	sld [smem:$0x3FAF]  }
0x2c: {  	s7 =	sld [smem:$0x3FB0]  }
0x2d: {  	s3 =	simm.s32 $0x108;
	s8 =	sld [smem:$0x3FB1]  }
0x2e: {  	s3 =	simm.s32 @!p0 $0x1082;
	s9 =	sld [smem:$0x3FB2]  }
0x2f: {  	lr =	sadd.s32 s0, s3;
	s0 =	sld [smem:$0x3FA9]  }
0x30: {  	s3 =	sld [smem:$0x3FAC]  }
0x31: {  	[smem:$0x3FB5] =	sst s10  }
0x32: {  	s10 =	sld [smem:$0x3FB3];
	_ =	sdelay $0x3  }
0x33: {  	p0 =	seq.s32 s10, $0x1;
	s10 =	sld [smem:$0x3FB5];
	_ =	sdelay $0x3  }
0x34: {  	[smem:$0x3FB5] =	sst s10  }
0x35: {  	s10 =	sld [smem:$0x3FB4];
	_ =	sdelay $0x3  }
0x36: {  	p1 =	seq.s32 s10, $0x1;
	s10 =	sld [smem:$0x3FB5];
	_ =	sdelay $0x3  }
0x37: {  	[smem:$0x3FB5] =	sst s10  }
0x38: {  	s10 =	sld [smem:$0x3FB6]  }
0x39: {  	_ = 	snop;
	(pc) =	sbr.ind lr, $3  }
0x3a: {  	_ = 	snop  }
0x3b: {  	_ = 	snop  }
0x3c: {  	p2 =	seq.s32 s10, $0x1;
	s10 =	sld [smem:$0x3FB5]  }
0x3d: {  	_ =	shalt  }
0x3e: {  	_ =	shalt  }
0x3f: {  	_ =	shalt  }
0x40: {  	_ =	shalt  }
0x41: {  	_ =	shalt  }
0x42: {  	_ =	shalt  }
0x43: {  	_ =	shalt  }
0x44: {  	_ =	shalt  }
0x45: {  	_ =	shalt  }
0x46: {  	_ =	shalt  }
0x47: {  	_ =	shalt  }
0x48: {  	_ =	shalt  }
0x49: {  	_ =	shalt  }
0x4a: {  	_ =	shalt  }
0x4b: {  	_ =	shalt  }
0x4c: {  	_ =	shalt  }
0x4d: {  	_ =	shalt  }
0x4e: {  	_ =	shalt  }
0x4f: {  	_ =	shalt  }
0x50: {  	_ =	shalt  }
0x51: {  	_ =	shalt  }
0x52: {  	_ =	shalt  }
0x53: {  	_ =	shalt  }
0x54: {  	_ =	shalt  }
0x55: {  	_ =	shalt  }
0x56: {  	_ =	shalt  }
0x57: {  	_ =	shalt  }
0x58: {  	_ =	shalt  }
0x59: {  	_ =	shalt  }
0x5a: {  	_ =	shalt  }
0x5b: {  	_ =	shalt  }
0x5c: {  	_ =	shalt  }
0x5d: {  	_ =	shalt  }
0x5e: {  	_ =	shalt  }
0x5f: {  	_ =	shalt  }
0x60: {  	_ =	shalt  }
0x61: {  	_ =	shalt  }
0x62: {  	_ =	shalt  }
0x63: {  	_ =	shalt  }
0x64: {  	_ =	shalt  }
0x65: {  	_ =	shalt  }
0x66: {  	_ =	shalt  }
0x67: {  	_ =	shalt  }
0x68: {  	_ =	shalt  }
0x69: {  	_ =	shalt  }
0x6a: {  	_ =	shalt  }
0x6b: {  	_ =	shalt  }
0x6c: {  	_ =	shalt  }
0x6d: {  	_ =	shalt  }
0x6e: {  	_ =	shalt  }
0x6f: {  	_ =	shalt  }
0x70: {  	_ =	shalt  }
0x71: {  	_ =	shalt  }
0x72: {  	_ =	shalt  }
0x73: {  	_ =	shalt  }
0x74: {  	_ =	shalt  }
0x75: {  	_ =	shalt  }
0x76: {  	_ =	shalt  }
0x77: {  	_ =	shalt  }
0x78: {  	_ =	shalt  }
0x79: {  	_ =	shalt  }
0x7a: {  	_ =	shalt  }
0x7b: {  	_ =	shalt  }
0x7c: {  	_ =	shalt  }
0x7d: {  	_ =	shalt  }
0x7e: {  	_ =	shalt  }
0x7f: {  	_ =	shalt  }
0x80: {  	_ =	shalt  }
0x81: {  	_ =	shalt  }
0x82: {  	_ =	shalt  }
0x83: {  	_ =	shalt  }
0x84: {  	_ =	shalt  }
0x85: {  	_ =	shalt  }
0x86: {  	_ =	shalt  }
0x87: {  	_ =	shalt  }
.Lfunc_end0:
.L_simem_size_0:
called_computation.1_lowered:
.L_overlay_start_0:
0x88: {  	s2 =	sld [smem:$0x3FD9]  }
0x89: {  	s3 =	sld [smem:$0x3FFE];
	_ =	sdelay $0x1  }
0x8a: {  	s1 =	srdreg.scid  }
0x8b: {  	s0 =	sand.u32 $0x1, s1  }
0x8c: {  	s17 =	sshll.u32 s0, $0xA;
	s2 =	sadd.s32 s3, s2  }
0x8d: {  	s2 =	sadd.s32 s2, s17  }
0x8e: {  	[smem:$0x3FC1] =	sst s2  }
0x8f: {  	_ = 	snop  }
0x90: {  	s2 =	sld [smem:$0x3FD0];
	(tm) =	ssettm $0x1  }
0x91: {  	s18 =	sld [smem:$0x3FFB];
	_ =	sdelay $0x3  }
0x92: {  	_ =	strace s18  }
0x93: {  	s3 =	sld [smem:$0x3FFC];
	_ =	sdelay $0x3  }
0x94: {  	_ =	strace s3  }
0x95: {  	s3 =	sld [smem:$0x3FFD];
	_ =	sdelay $0x3  }
0x96: {  	_ =	strace s3  }
0x97: {  	_ =	strace $0x8FFFFFFF  }
0x98: {  	s19 =	sld [smem:$0x3FDB];
	_ =	sdelay $0x1  }
0x99: {  	s4 =	simm.s32 $_scs_section_size  }
0x9a: {  	s5 =	simm.s32 $_size__tile_overlayer_lowered;
	s6 =	simm.s32 $_tile_overlayer_lowered  }
0x9b: {  	s22 =	simm.s32 $0x1BFF;
	s21 =	sshll.u32 s6, $0x1;
	s3 =	sadd.s32 s4, s19  }
0x9c: {  	s7 =	simm.s32 $0x0;
	s20 =	sshll.u32 s5, $0x1;
	s5 =	sadd.s32 s21, s3  }
0x9d: {  	[timem:s7], [sflag:s22] =	dma.local [hbm:s5], s20  }
0x9e: {  	_ =	swait.ge [sflag:s22], s20  }
0x9f: {  	s4 =	ssub.s32 $0x0, s20;
	[sflag:s22] =	ssyncset.done $0x0  }
0xa0: {  	[sflag:s22] =	ssyncadd.s32 s4;
	_ =	sdelay $0x1  }
0xa1: {  	s23 =	simm.s32 $0x1B8B  }
0xa2: {  	_ =	swait.ge [sflag:s23], $0x1  }
0xa3: {  	[sflag:s23] =	ssyncset.done $0x0  }
0xa4: {  	s25 =	simm.s32 $0x1B8E;
	s24 =	sld [smem:$0x3FFE];
	[sflag:s23] =	ssyncadd.s32 $0xFFFFFFFF  }
0xa5: {  	s26 =	simm.s32 $execute0_lowered;
	[smem:$0x3FD2] =	sst s25  }
0xa6: {  	s5 =	sshll.u32 s26, $0x1;
	_ =	strace $0x80000049;
	[dreg:$0x1] =	wrdreg $0xFFFFFFFF  }
0xa7: {  	s28 =	simm.s32 $_size_execute0_lowered;
	s3 =	sadd.s32 s3, s5;
	[dreg:$0x0] =	wrdreg $0x0  }
0xa8: {  	s5 =	sshll.u32 s28, $0x1;
	[dreg:$0x2] =	wrdreg s3  }
0xa9: {  	[dreg:$0x3] =	wrdreg s5  }
0xaa: {  	[dreg:$0x4] =	wrdreg $0xC0  }
0xab: {  	_ =	task [dreg:s7], $0x5FFFF  }
0xac: {  	[dreg:$0x1] =	wrdreg $0xFFFFFFFF  }
0xad: {  	[dreg:$0x0] =	wrdreg $0x60  }
0xae: {  	[dreg:$0x2] =	wrdreg s24  }
0xaf: {  	[dreg:$0x3] =	wrdreg s2  }
0xb0: {  	[dreg:$0x4] =	wrdreg $0x9  }
0xb1: {  	_ =	task.clear_ibuf [dreg:s7], $0x5FFFF;
	_ =	strace $0x90000049  }
0xb2: {  	s29 =	simm.s32 $0x9;
	_ =	strace $0x8000004B  }
0xb3: {  	_ =	swait.ge [sflag:s29], $0x1  }
0xb4: {  	[sflag:s29] =	ssyncadd.s32 $0xFFFFFFFF  }
0xb5: {  	_ =	strace $0x9000004B  }
0xb6: {  	_ =	sfence  }
0xb7: {  	s30 =	sld [smem:$0x0];
	_ =	sdelay $0x2  }
0xb8: {  	s31 =	sshll.u32 s1, $0xD;
	s1 =	sshrl.u32 s1, $0x2  }
0xb9: {  	s3 =	sand.u32 $0x4000, s31;
	s1 =	sadd.s32 s1, s30  }
0xba: {  	s0 =	sor.u32 s3, s0;
	s1 =	sshll.u32 s1, $0x11  }
0xbb: {  	s0 =	sor.u32 s1, s0  }
0xbc: {  	s0 =	sadd.s32 $0x8F2B, s0  }
0xbd: {  	[sflag:s0] =	ssyncadd.remote.s32 $0x1  }
0xbe: {  	_ =	sfence.sel $0xFFFF  }
0xbf: {  	[dreg:$0x0] =	wrdreg $0xFFFFFFFF;
	(pc) =	sbr.abs _section_cstart, $3  }
0xc0: {  	[dreg:$0x1] =	wrdreg $0xFFFFFFFF  }
0xc1: {  	_ =	task.clear_ibuf [dreg:s7], $0x2FFFF;
	_ =	strace $0x9FFFFFFF  }
0xc2: {  	(tm) =	ssettm $0x7FFFFFFF  }
0xc3: {  	_ =	shalt  }
tec
execute0_lowered:
.L_overlay_start_1:
0x0: {  	(tag) =	ssettag $0x1  }
0x1: {  	s0 =	rddreg [dreg:$0x0]  }
0x2: {  	s1 =	rddreg [dreg:$0x1]  }
0x3: {  	s3 =	srdreg.scid;
	s2 =	simm.s32 $0x0;
	s5 =	stileid.u32  }
0x4: {  	s13 =	simm.s32 $0x100;
	s14 =	simm.s32 $0x3;
	s15 =	simm.s32 $0x180  }
0x5: {  	s16 =	simm.s32 $0x1;
	s17 =	simm.s32 $0x200;
	s28 =	simm.s32 $0x14200  }
0x6: {  	s29 =	simm.s32 $0x14A00;
	s30 =	simm.s32 $0x15200;
	s31 =	simm.s32 $0x15A00  }
0x7: {  	s18 =	simm.s32 $0x17A00;
	s19 =	simm.s32 $0x0;
	s4 =	sand.u32 $0x1, s3  }
0x8: {  	[smem:$0x7FF] =	sst s2;
	s25 =	sshll.u32 s5, $0x4;
	s3 =	sadd.s32 $0x122400, s0  }
0x9: {  	s26 =	sshll.u32 s4, $0x3;
	_ =	strace $0x8000004A;
	s9 =	ssub.s32 $0x2, s4  }
0xa: {  	s8 =	sor.u32 s26, s25;
	s10 =	sshrl.u32 s9, $0x1;
	s25 =	simm.s32 $0x2  }
0xb: {  	s26 =	simm.s32 $0x13A00;
	s7 =	sadd.s32 s8, s0;
	s11 =	smul.u32 $0x300, s8  }
0xc: {  	s12 =	ssub.s32 s9, s10;
	s8 =	sadd.s32 $0x122500, s0;
	s9 =	sadd.s32 $0x122600, s0  }
0xd: {  	v2 =	vlaneseq.u32;
	s0 =	simm.s32 $0x16200;
	s4 =	sadd.s32 $0x1C00, s7;
	s5 =	sadd.s32 $0x1E00, s7  }
0xe: {  	vm0 =	vmmov $0xffff;
	v1 =	vshrl.u32 v2, $0x3;
	s6 =	sadd.s32 $0x2000, s7;
	s7 =	sadd.s32 $0x2200, s7;
	s10 =	sadd.s32 s1, s11  }
0xf: {  	v0 =	vand.u32 $0x7, v2;
	v2 =	vor.u32 $0x8, v2;
	v1 =	vmul.u32 $0x8, v1;
	s11 =	smax.u32 s12, $0x1;
	s1 =	simm.s32 $0x16A00;
	s12 =	simm.s32 $0x17200  }
.LBB2_1:
0x10: {  	[tilespmem:s2], [sflag:$0x1] =	stream.linear.gather [hbm4b:s4+s2], $0x40, $0x38;
	[tilespmem:$0x18200] =	vst v63  }
0x11: {  	s20 =	simm.s32 $0x80  }
0x12: {  	[tilespmem:s20], [sflag:$0x2] =	stream.linear.gather [hbm4b:s5+s2], $0x40, $0x38;
	[tilespmem:$0x18200] =	vst v63  }
0x13: {  	_ = 	snop  }
0x14: {  	[tilespmem:s13], [sflag:$0x3] =	stream.linear.gather [hbm4b:s6+s2], $0x40, $0x38;
	[tilespmem:$0x18200] =	vst v63  }
0x15: {  	_ =	swait.ge [sflag:s14], $0x40  }
0x16: {  	[sflag:s14] =	ssyncset.done $0x0  }
0x17: {  	[sflag:s14] =	ssyncadd.s32 $0xFFFFFFC0  }
0x18: {  	[tilespmem:s15], [sflag:$0x3] =	stream.linear.gather [hbm4b:s7+s2], $0x40, $0x38;
	[tilespmem:$0x18200] =	vst v63  }
0x19: {  	_ =	swait.ge [sflag:s14], $0x40  }
0x1a: {  	[sflag:s14] =	ssyncset.done $0x0  }
0x1b: {  	[sflag:s14] =	ssyncadd.s32 $0xFFFFFFC0  }
0x1c: {  	_ =	swait.ge [sflag:s16], $0x40  }
0x1d: {  	[sflag:s16] =	ssyncset.done $0x0  }
0x1e: {  	[sflag:s16] =	ssyncadd.s32 $0xFFFFFFC0  }
0x1f: {  	v3 =	vld [tilespmem:$0x0];
	_ =	sdelay $0x4  }
0x20: {  	v4 =	vshrl.u32 v3, $0x3  }
0x21: {  	v4 =	vmul.u32 $0x30, v4  }
0x22: {  	v3 =	vand.u32 $0x7, v3  }
0x23: {  	v3 =	vor.u32 v3, v4  }
0x24: {  	v4 =	vperm.xlane v3, v0;
	_ =	sdelay $0x1  }
0x25: {  	v4 =	vadd.s32 v1, v4;
	_ =	sdelay $0x3  }
0x26: {  	v3 =	vperm.xlane v3, v2  }
0x27: {  	[tilespmem:s17], [sflag:$0x1] =	stream.indirect_vreg.gather [hbm4b:s3+s2], $0x80, v4, vm0, $0xb8;
	[tilespmem:$0x18200] =	vst v63  }
0x28: {  	s22 =	simm.s32 $0xA00;
	v3 =	vadd.s32 v1, v3  }
0x29: {  	[tilespmem:s22], [sflag:$0x1] =	stream.indirect_vreg.gather [hbm4b:s8+s2], $0x80, v4, vm0, $0xb8;
	[tilespmem:$0x18200] =	vst v63  }
0x2a: {  	s23 =	simm.s32 $0x1200  }
0x2b: {  	[tilespmem:s23], [sflag:$0x1] =	stream.indirect_vreg.gather [hbm4b:s9+s2], $0x80, v4, vm0, $0xb8;
	[tilespmem:$0x18200] =	vst v63  }
0x2c: {  	s24 =	simm.s32 $0x1A00  }
0x2d: {  	[tilespmem:s24], [sflag:$0x1] =	stream.indirect_vreg.gather [hbm4b:s3+s2], $0x80, v3, vm0, $0xb8;
	[tilespmem:$0x18200] =	vst v63  }
0x2e: {  	s21 =	simm.s32 $0x2200  }
0x2f: {  	[tilespmem:s21], [sflag:$0x1] =	stream.indirect_vreg.gather [hbm4b:s8+s2], $0x80, v3, vm0, $0xb8;
	[tilespmem:$0x18200] =	vst v63  }
0x30: {  	s22 =	simm.s32 $0x2A00  }
0x31: {  	[tilespmem:s22], [sflag:$0x1] =	stream.indirect_vreg.gather [hbm4b:s9+s2], $0x80, v3, vm0, $0xb8;
	[tilespmem:$0x18200] =	vst v63  }
0x32: {  	v3 =	vld [tilespmem:$0x10];
	_ =	sdelay $0x4  }
0x33: {  	v4 =	vshrl.u32 v3, $0x3  }
0x34: {  	v4 =	vmul.u32 $0x30, v4  }
0x35: {  	v3 =	vand.u32 $0x7, v3  }
0x36: {  	v3 =	vor.u32 v3, v4  }
0x37: {  	v4 =	vperm.xlane v3, v0;
	_ =	sdelay $0x1  }
0x38: {  	v4 =	vadd.s32 v1, v4;
	_ =	sdelay $0x3  }
0x39: {  	s23 =	simm.s32 $0x3200;
	v3 =	vperm.xlane v3, v2  }
0x3a: {  	[tilespmem:s23], [sflag:$0x1] =	stream.indirect_vreg.gather [hbm4b:s3+s2], $0x80, v4, vm0, $0xb8;
	[tilespmem:$0x18200] =	vst v63  }
0x3b: {  	s24 =	simm.s32 $0x3A00;
	v3 =	vadd.s32 v1, v3  }
0x3c: {  	[tilespmem:s24], [sflag:$0x1] =	stream.indirect_vreg.gather [hbm4b:s8+s2], $0x80, v4, vm0, $0xb8;
	[tilespmem:$0x18200] =	vst v63  }
0x3d: {  	s21 =	simm.s32 $0x4200  }
0x3e: {  	[tilespmem:s21], [sflag:$0x1] =	stream.indirect_vreg.gather [hbm4b:s9+s2], $0x80, v4, vm0, $0xb8;
	[tilespmem:$0x18200] =	vst v63  }
0x3f: {  	s22 =	simm.s32 $0x4A00  }
0x40: {  	[tilespmem:s22], [sflag:$0x1] =	stream.indirect_vreg.gather [hbm4b:s3+s2], $0x80, v3, vm0, $0xb8;
	[tilespmem:$0x18200] =	vst v63  }
0x41: {  	s23 =	simm.s32 $0x5200  }
0x42: {  	[tilespmem:s23], [sflag:$0x1] =	stream.indirect_vreg.gather [hbm4b:s8+s2], $0x80, v3, vm0, $0xb8;
	[tilespmem:$0x18200] =	vst v63  }
0x43: {  	s24 =	simm.s32 $0x5A00  }
0x44: {  	[tilespmem:s24], [sflag:$0x1] =	stream.indirect_vreg.gather [hbm4b:s9+s2], $0x80, v3, vm0, $0xb8;
	[tilespmem:$0x18200] =	vst v63  }
0x45: {  	v3 =	vld [tilespmem:$0x20];
	_ =	sdelay $0x4  }
0x46: {  	v4 =	vshrl.u32 v3, $0x3  }
0x47: {  	v4 =	vmul.u32 $0x30, v4  }
0x48: {  	v3 =	vand.u32 $0x7, v3  }
0x49: {  	v3 =	vor.u32 v3, v4  }
0x4a: {  	v4 =	vperm.xlane v3, v0;
	_ =	sdelay $0x1  }
0x4b: {  	v4 =	vadd.s32 v1, v4;
	_ =	sdelay $0x3  }
0x4c: {  	s21 =	simm.s32 $0x6200;
	v3 =	vperm.xlane v3, v2  }
0x4d: {  	[tilespmem:s21], [sflag:$0x1] =	stream.indirect_vreg.gather [hbm4b:s3+s2], $0x80, v4, vm0, $0xb8;
	[tilespmem:$0x18200] =	vst v63  }
0x4e: {  	s22 =	simm.s32 $0x6A00;
	v3 =	vadd.s32 v1, v3  }
0x4f: {  	[tilespmem:s22], [sflag:$0x1] =	stream.indirect_vreg.gather [hbm4b:s8+s2], $0x80, v4, vm0, $0xb8;
	[tilespmem:$0x18200] =	vst v63  }
0x50: {  	s23 =	simm.s32 $0x7200  }
0x51: {  	[tilespmem:s23], [sflag:$0x1] =	stream.indirect_vreg.gather [hbm4b:s9+s2], $0x80, v4, vm0, $0xb8;
	[tilespmem:$0x18200] =	vst v63  }
0x52: {  	s24 =	simm.s32 $0x7A00  }
0x53: {  	[tilespmem:s24], [sflag:$0x1] =	stream.indirect_vreg.gather [hbm4b:s3+s2], $0x80, v3, vm0, $0xb8;
	[tilespmem:$0x18200] =	vst v63  }
0x54: {  	s21 =	simm.s32 $0x8200  }
0x55: {  	[tilespmem:s21], [sflag:$0x1] =	stream.indirect_vreg.gather [hbm4b:s8+s2], $0x80, v3, vm0, $0xb8;
	[tilespmem:$0x18200] =	vst v63  }
0x56: {  	s22 =	simm.s32 $0x8A00  }
0x57: {  	[tilespmem:s22], [sflag:$0x1] =	stream.indirect_vreg.gather [hbm4b:s9+s2], $0x80, v3, vm0, $0xb8;
	[tilespmem:$0x18200] =	vst v63  }
0x58: {  	v3 =	vld [tilespmem:$0x30];
	_ =	sdelay $0x4  }
0x59: {  	v4 =	vshrl.u32 v3, $0x3  }
0x5a: {  	v4 =	vmul.u32 $0x30, v4  }
0x5b: {  	v3 =	vand.u32 $0x7, v3  }
0x5c: {  	v3 =	vor.u32 v3, v4  }
0x5d: {  	v4 =	vperm.xlane v3, v0;
	_ =	sdelay $0x1  }
0x5e: {  	v4 =	vadd.s32 v1, v4;
	_ =	sdelay $0x3  }
0x5f: {  	s23 =	simm.s32 $0x9200;
	v3 =	vperm.xlane v3, v2  }
0x60: {  	[tilespmem:s23], [sflag:$0x1] =	stream.indirect_vreg.gather [hbm4b:s3+s2], $0x80, v4, vm0, $0xb8;
	[tilespmem:$0x18200] =	vst v63  }
0x61: {  	s24 =	simm.s32 $0x9A00;
	v3 =	vadd.s32 v1, v3  }
0x62: {  	[tilespmem:s24], [sflag:$0x1] =	stream.indirect_vreg.gather [hbm4b:s8+s2], $0x80, v4, vm0, $0xb8;
	[tilespmem:$0x18200] =	vst v63  }
0x63: {  	s21 =	simm.s32 $0xA200  }
0x64: {  	[tilespmem:s21], [sflag:$0x1] =	stream.indirect_vreg.gather [hbm4b:s9+s2], $0x80, v4, vm0, $0xb8;
	[tilespmem:$0x18200] =	vst v63  }
0x65: {  	s22 =	simm.s32 $0xAA00  }
0x66: {  	[tilespmem:s22], [sflag:$0x1] =	stream.indirect_vreg.gather [hbm4b:s3+s2], $0x80, v3, vm0, $0xb8;
	[tilespmem:$0x18200] =	vst v63  }
0x67: {  	s23 =	simm.s32 $0xB200  }
0x68: {  	[tilespmem:s23], [sflag:$0x1] =	stream.indirect_vreg.gather [hbm4b:s8+s2], $0x80, v3, vm0, $0xb8;
	[tilespmem:$0x18200] =	vst v63  }
0x69: {  	s24 =	simm.s32 $0xBA00  }
0x6a: {  	[tilespmem:s24], [sflag:$0x1] =	stream.indirect_vreg.gather [hbm4b:s9+s2], $0x80, v3, vm0, $0xb8;
	[tilespmem:$0x18200] =	vst v63  }
0x6b: {  	_ =	swait.ge [sflag:s25], $0x40  }
0x6c: {  	[sflag:s25] =	ssyncset.done $0x0  }
0x6d: {  	[sflag:s25] =	ssyncadd.s32 $0xFFFFFFC0  }
0x6e: {  	v3 =	vld [tilespmem:$0x80];
	_ =	sdelay $0x4  }
0x6f: {  	v4 =	vshrl.u32 v3, $0x3  }
0x70: {  	v4 =	vmul.u32 $0x30, v4  }
0x71: {  	v3 =	vand.u32 $0x7, v3  }
0x72: {  	v3 =	vor.u32 v3, v4  }
0x73: {  	v4 =	vperm.xlane v3, v0;
	_ =	sdelay $0x1  }
0x74: {  	v4 =	vadd.s32 v1, v4;
	_ =	sdelay $0x3  }
0x75: {  	s21 =	simm.s32 $0xC200;
	v3 =	vperm.xlane v3, v2  }
0x76: {  	[tilespmem:s21], [sflag:$0x2] =	stream.indirect_vreg.gather [hbm4b:s3+s2], $0x80, v4, vm0, $0xb8;
	[tilespmem:$0x18200] =	vst v63  }
0x77: {  	s22 =	simm.s32 $0xCA00;
	v3 =	vadd.s32 v1, v3  }
0x78: {  	[tilespmem:s22], [sflag:$0x2] =	stream.indirect_vreg.gather [hbm4b:s8+s2], $0x80, v4, vm0, $0xb8;
	[tilespmem:$0x18200] =	vst v63  }
0x79: {  	s23 =	simm.s32 $0xD200  }
0x7a: {  	[tilespmem:s23], [sflag:$0x2] =	stream.indirect_vreg.gather [hbm4b:s9+s2], $0x80, v4, vm0, $0xb8;
	[tilespmem:$0x18200] =	vst v63  }
0x7b: {  	s24 =	simm.s32 $0xDA00  }
0x7c: {  	[tilespmem:s24], [sflag:$0x2] =	stream.indirect_vreg.gather [hbm4b:s3+s2], $0x80, v3, vm0, $0xb8;
	[tilespmem:$0x18200] =	vst v63  }
0x7d: {  	s21 =	simm.s32 $0xE200  }
0x7e: {  	[tilespmem:s21], [sflag:$0x2] =	stream.indirect_vreg.gather [hbm4b:s8+s2], $0x80, v3, vm0, $0xb8;
	[tilespmem:$0x18200] =	vst v63  }
0x7f: {  	s22 =	simm.s32 $0xEA00  }
0x80: {  	[tilespmem:s22], [sflag:$0x2] =	stream.indirect_vreg.gather [hbm4b:s9+s2], $0x80, v3, vm0, $0xb8;
	[tilespmem:$0x18200] =	vst v63  }
0x81: {  	v3 =	vld [tilespmem:$0x90];
	_ =	sdelay $0x4  }
0x82: {  	v4 =	vshrl.u32 v3, $0x3  }
0x83: {  	v4 =	vmul.u32 $0x30, v4  }
0x84: {  	v3 =	vand.u32 $0x7, v3  }
0x85: {  	v3 =	vor.u32 v3, v4  }
0x86: {  	v4 =	vperm.xlane v3, v0;
	_ =	sdelay $0x1  }
0x87: {  	v4 =	vadd.s32 v1, v4;
	_ =	sdelay $0x3  }
0x88: {  	s23 =	simm.s32 $0xF200;
	v3 =	vperm.xlane v3, v2  }
0x89: {  	[tilespmem:s23], [sflag:$0x2] =	stream.indirect_vreg.gather [hbm4b:s3+s2], $0x80, v4, vm0, $0xb8;
	[tilespmem:$0x18200] =	vst v63  }
0x8a: {  	s24 =	simm.s32 $0xFA00;
	v3 =	vadd.s32 v1, v3  }
0x8b: {  	[tilespmem:s24], [sflag:$0x2] =	stream.indirect_vreg.gather [hbm4b:s8+s2], $0x80, v4, vm0, $0xb8;
	[tilespmem:$0x18200] =	vst v63  }
0x8c: {  	s21 =	simm.s32 $0x10200  }
0x8d: {  	[tilespmem:s21], [sflag:$0x2] =	stream.indirect_vreg.gather [hbm4b:s9+s2], $0x80, v4, vm0, $0xb8;
	[tilespmem:$0x18200] =	vst v63  }
0x8e: {  	s22 =	simm.s32 $0x10A00  }
0x8f: {  	[tilespmem:s22], [sflag:$0x2] =	stream.indirect_vreg.gather [hbm4b:s3+s2], $0x80, v3, vm0, $0xb8;
	[tilespmem:$0x18200] =	vst v63  }
0x90: {  	s23 =	simm.s32 $0x11200  }
0x91: {  	[tilespmem:s23], [sflag:$0x2] =	stream.indirect_vreg.gather [hbm4b:s8+s2], $0x80, v3, vm0, $0xb8;
	[tilespmem:$0x18200] =	vst v63  }
0x92: {  	s24 =	simm.s32 $0x11A00  }
0x93: {  	[tilespmem:s24], [sflag:$0x2] =	stream.indirect_vreg.gather [hbm4b:s9+s2], $0x80, v3, vm0, $0xb8;
	[tilespmem:$0x18200] =	vst v63  }
0x94: {  	v3 =	vld [tilespmem:$0xA0];
	_ =	sdelay $0x4  }
0x95: {  	v4 =	vshrl.u32 v3, $0x3  }
0x96: {  	v4 =	vmul.u32 $0x30, v4  }
0x97: {  	v3 =	vand.u32 $0x7, v3  }
0x98: {  	v3 =	vor.u32 v3, v4  }
0x99: {  	v4 =	vperm.xlane v3, v0;
	_ =	sdelay $0x1  }
0x9a: {  	v4 =	vadd.s32 v1, v4;
	_ =	sdelay $0x3  }
0x9b: {  	s21 =	simm.s32 $0x12200;
	v3 =	vperm.xlane v3, v2  }
0x9c: {  	[tilespmem:s21], [sflag:$0x2] =	stream.indirect_vreg.gather [hbm4b:s3+s2], $0x80, v4, vm0, $0xb8;
	[tilespmem:$0x18200] =	vst v63  }
0x9d: {  	s22 =	simm.s32 $0x12A00;
	v3 =	vadd.s32 v1, v3  }
0x9e: {  	[tilespmem:s22], [sflag:$0x2] =	stream.indirect_vreg.gather [hbm4b:s8+s2], $0x80, v4, vm0, $0xb8;
	[tilespmem:$0x18200] =	vst v63  }
0x9f: {  	s23 =	simm.s32 $0x13200  }
0xa0: {  	[tilespmem:s23], [sflag:$0x2] =	stream.indirect_vreg.gather [hbm4b:s9+s2], $0x80, v4, vm0, $0xb8;
	[tilespmem:$0x18200] =	vst v63  }
0xa1: {  	_ = 	snop  }
0xa2: {  	[tilespmem:s26], [sflag:$0x2] =	stream.indirect_vreg.gather [hbm4b:s3+s2], $0x80, v3, vm0, $0xb8;
	[tilespmem:$0x18200] =	vst v63  }
0xa3: {  	_ = 	snop  }
0xa4: {  	[tilespmem:s28], [sflag:$0x2] =	stream.indirect_vreg.gather [hbm4b:s8+s2], $0x80, v3, vm0, $0xb8;
	[tilespmem:$0x18200] =	vst v63  }
0xa5: {  	_ = 	snop  }
0xa6: {  	[tilespmem:s29], [sflag:$0x2] =	stream.indirect_vreg.gather [hbm4b:s9+s2], $0x80, v3, vm0, $0xb8;
	[tilespmem:$0x18200] =	vst v63  }
0xa7: {  	v3 =	vld [tilespmem:$0xB0];
	_ =	sdelay $0x4  }
0xa8: {  	v4 =	vshrl.u32 v3, $0x3  }
0xa9: {  	v4 =	vmul.u32 $0x30, v4  }
0xaa: {  	v3 =	vand.u32 $0x7, v3  }
0xab: {  	v3 =	vor.u32 v3, v4  }
0xac: {  	v4 =	vperm.xlane v3, v0;
	_ =	sdelay $0x1  }
0xad: {  	v4 =	vadd.s32 v1, v4;
	_ =	sdelay $0x3  }
0xae: {  	v3 =	vperm.xlane v3, v2  }
0xaf: {  	[tilespmem:s30], [sflag:$0x2] =	stream.indirect_vreg.gather [hbm4b:s3+s2], $0x80, v4, vm0, $0xb8;
	[tilespmem:$0x18200] =	vst v63  }
0xb0: {  	v3 =	vadd.s32 v1, v3  }
0xb1: {  	[tilespmem:s31], [sflag:$0x2] =	stream.indirect_vreg.gather [hbm4b:s8+s2], $0x80, v4, vm0, $0xb8;
	[tilespmem:$0x18200] =	vst v63  }
0xb2: {  	_ = 	snop  }
0xb3: {  	[tilespmem:s0], [sflag:$0x2] =	stream.indirect_vreg.gather [hbm4b:s9+s2], $0x80, v4, vm0, $0xb8;
	[tilespmem:$0x18200] =	vst v63  }
0xb4: {  	_ = 	snop  }
0xb5: {  	[tilespmem:s1], [sflag:$0x2] =	stream.indirect_vreg.gather [hbm4b:s3+s2], $0x80, v3, vm0, $0xb8;
	[tilespmem:$0x18200] =	vst v63  }
0xb6: {  	_ = 	snop  }
0xb7: {  	[tilespmem:s12], [sflag:$0x2] =	stream.indirect_vreg.gather [hbm4b:s8+s2], $0x80, v3, vm0, $0xb8;
	[tilespmem:$0x18200] =	vst v63  }
0xb8: {  	_ = 	snop  }
0xb9: {  	[tilespmem:s18], [sflag:$0x2] =	stream.indirect_vreg.gather [hbm4b:s9+s2], $0x80, v3, vm0, $0xb8;
	[tilespmem:$0x18200] =	vst v63  }
0xba: {  	_ =	swait.ge [sflag:s16], $0xC000  }
0xbb: {  	[sflag:s16] =	ssyncset.done $0x0  }
0xbc: {  	s24 =	simm.s32 $0x0;
	[sflag:s16] =	ssyncadd.s32 $0xFFFF4000  }
0xbd: {  	s20 =	smul.u32 $0x1800, s24;
	_ =	swait.ge [sflag:s25], $0xC000  }
0xbe: {  	s21 =	sand.u32 $0x380, s2;
	[sflag:s25] =	ssyncset.done $0x0  }
0xbf: {  	s20 =	sor.u32 s21, s20;
	[sflag:s25] =	ssyncadd.s32 $0xFFFF4000  }
0xc0: {  	v4 =	vld [tilespmem:s20+$0x210]  }
0xc1: {  	v3 =	vld [tilespmem:s20+$0xC210]  }
0xc2: {  	v6 =	vld [tilespmem:s20+$0x220]  }
0xc3: {  	v5 =	vld [tilespmem:s20+$0xC220]  }
0xc4: {  	v8 =	vld [tilespmem:s20+$0x230]  }
0xc5: {  	v7 =	vld [tilespmem:s20+$0xC230]  }
0xc6: {  	v10 =	vld [tilespmem:s20+$0x240]  }
0xc7: {  	v9 =	vld [tilespmem:s20+$0xC240]  }
0xc8: {  	v12 =	vld [tilespmem:s20+$0x250]  }
0xc9: {  	v11 =	vld [tilespmem:s20+$0xC250]  }
0xca: {  	v13 =	vld [tilespmem:s20+$0x260]  }
0xcb: {  	v14 =	vld [tilespmem:s20+$0x270]  }
0xcc: {  	v15 =	vld [tilespmem:s20+$0x600]  }
0xcd: {  	v16 =	vld [tilespmem:s20+$0x610]  }
0xce: {  	v17 =	vld [tilespmem:s20+$0x620]  }
0xcf: {  	v18 =	vld [tilespmem:s20+$0x630]  }
0xd0: {  	v19 =	vld [tilespmem:s20+$0x640]  }
0xd1: {  	v20 =	vld [tilespmem:s20+$0x650]  }
0xd2: {  	v21 =	vld [tilespmem:s20+$0x660]  }
0xd3: {  	v22 =	vld [tilespmem:s20+$0x670]  }
0xd4: {  	v23 =	vld [tilespmem:s20+$0xA00]  }
0xd5: {  	v24 =	vld [tilespmem:s20+$0xA10]  }
0xd6: {  	v25 =	vld [tilespmem:s20+$0xA20]  }
0xd7: {  	v26 =	vld [tilespmem:s20+$0xA30]  }
0xd8: {  	v27 =	vld [tilespmem:s20+$0xA40]  }
0xd9: {  	v28 =	vld [tilespmem:s20+$0xA50]  }
0xda: {  	v29 =	vld [tilespmem:s20+$0xA60]  }
0xdb: {  	v30 =	vld [tilespmem:s20+$0xA70]  }
0xdc: {  	v32 =	vld [tilespmem:s20+$0xE00]  }
0xdd: {  	v34 =	vld [tilespmem:s20+$0xE10]  }
0xde: {  	v35 =	vld [tilespmem:s20+$0xE20]  }
0xdf: {  	v36 =	vld [tilespmem:s20+$0xE30]  }
0xe0: {  	v37 =	vld [tilespmem:s20+$0xE40]  }
0xe1: {  	v38 =	vld [tilespmem:s20+$0xE50]  }
0xe2: {  	v39 =	vld [tilespmem:s20+$0xE60]  }
0xe3: {  	v40 =	vld [tilespmem:s20+$0xE70]  }
0xe4: {  	v41 =	vld [tilespmem:s20+$0x1200]  }
0xe5: {  	v42 =	vld [tilespmem:s20+$0x1210]  }
0xe6: {  	v43 =	vld [tilespmem:s20+$0x1220]  }
0xe7: {  	v44 =	vld [tilespmem:s20+$0x1230]  }
0xe8: {  	v45 =	vld [tilespmem:s20+$0x1240]  }
0xe9: {  	v46 =	vld [tilespmem:s20+$0x1250]  }
0xea: {  	v47 =	vld [tilespmem:s20+$0x1260]  }
0xeb: {  	v50 =	vmov s2;
	v48 =	vld [tilespmem:s20+$0x1600]  }
0xec: {  	s21 =	simm.s32 $0x1;
	s22 =	simm.s32 $0x0;
	v49 =	vld [tilespmem:s20+$0x1610]  }
.LBB2_2:
0xed: {  	p0 =	sne.s32 s21, $0x3F;
	v51 =	vld [tilespmem:s20+$0xD610]  }
0xee: {  	v52 =	vld [tilespmem:s20+$0xD630]  }
0xef: {  	v53 =	vld [tilespmem:s20+$0x1620]  }
0xf0: {  	v33 =	vld.idx.msk [tilespmem:v50+s13+$0x0], $0xffff  }
0xf1: {  	v31 =	vld.idx.msk [tilespmem:v50+s15+$0x0], $0xffff  }
0xf2: {  	v50 =	vld [tilespmem:s20+$0x1630]  }
0xf3: {  	v54 =	vld [tilespmem:s20+$0xD620]  }
0xf4: {  	v55 =	vld [tilespmem:s20+$0xD600]  }
0xf5: {  	v56 =	vld [tilespmem:s20+$0x1270]  }
0xf6: {  	v49 =	vmul.f32 v49, v33;
	v53 =	vmul.f32 v53, v33;
	v57 =	vld [tilespmem:s20+$0xD270]  }
0xf7: {  	v52 =	vmul.f32 v52, v31;
	v58 =	vld [tilespmem:s20+$0xD260];
	v50 =	vmul.f32 v50, v33  }
0xf8: {  	v51 =	vmul.f32 v51, v31;
	v59 =	vld [tilespmem:s20+$0xD250];
	v54 =	vmul.f32 v54, v31  }
0xf9: {  	v48 =	vmul.f32 v48, v33;
	v60 =	vld [tilespmem:s20+$0xD240];
	v55 =	vmul.f32 v55, v31;
	v50 =	vadd.f32 v52, v50  }
0xfa: {  	v49 =	vadd.f32 v51, v49;
	v52 =	vld [tilespmem:s20+$0xD230];
	v56 =	vmul.f32 v56, v33;
	v51 =	vadd.f32 v54, v53  }
0xfb: {  	v47 =	vmul.f32 v47, v33;
	v53 =	vld [tilespmem:s20+$0xD220];
	v54 =	vmul.f32 v57, v31;
	v48 =	vadd.f32 v55, v48;
	[tilespmem:s20+$0x1630] =	vst v50  }
0xfc: {  	v46 =	vmul.f32 v46, v33;
	v50 =	vld [tilespmem:s20+$0xD210];
	v55 =	vmul.f32 v58, v31;
	[tilespmem:s20+$0x1620] =	vst v51  }
0xfd: {  	v45 =	vmul.f32 v45, v33;
	v51 =	vld [tilespmem:s20+$0xD200];
	v57 =	vmul.f32 v59, v31;
	v54 =	vadd.f32 v54, v56;
	[tilespmem:s20+$0x1610] =	vst v49  }
0xfe: {  	v44 =	vmul.f32 v44, v33;
	v49 =	vld [tilespmem:s20+$0xCE70];
	v56 =	vmul.f32 v60, v31;
	v47 =	vadd.f32 v55, v47;
	[tilespmem:s20+$0x1600] =	vst v48  }
0xff: {  	v43 =	vmul.f32 v43, v33;
	v48 =	vld [tilespmem:s20+$0xCE60];
	v52 =	vmul.f32 v52, v31;
	v46 =	vadd.f32 v57, v46;
	[tilespmem:s20+$0x1270] =	vst v54  }
0x100: {  	v42 =	vmul.f32 v42, v33;
	v54 =	vld [tilespmem:s20+$0xCE50];
	v53 =	vmul.f32 v53, v31;
	v45 =	vadd.f32 v56, v45;
	[tilespmem:s20+$0x1260] =	vst v47  }
0x101: {  	v41 =	vmul.f32 v41, v33;
	v47 =	vld [tilespmem:s20+$0xCE40];
	v50 =	vmul.f32 v50, v31;
	v44 =	vadd.f32 v52, v44;
	[tilespmem:s20+$0x1250] =	vst v46  }
0x102: {  	v40 =	vmul.f32 v40, v33;
	v46 =	vld [tilespmem:s20+$0xCE30];
	v51 =	vmul.f32 v51, v31;
	v43 =	vadd.f32 v53, v43;
	[tilespmem:s20+$0x1240] =	vst v45  }
0x103: {  	v39 =	vmul.f32 v39, v33;
	v45 =	vld [tilespmem:s20+$0xCE20];
	v49 =	vmul.f32 v49, v31;
	v42 =	vadd.f32 v50, v42;
	[tilespmem:s20+$0x1230] =	vst v44  }
0x104: {  	v38 =	vmul.f32 v38, v33;
	v44 =	vld [tilespmem:s20+$0xCE10];
	v48 =	vmul.f32 v48, v31;
	v41 =	vadd.f32 v51, v41;
	[tilespmem:s20+$0x1220] =	vst v43  }
0x105: {  	v37 =	vmul.f32 v37, v33;
	v43 =	vld [tilespmem:s20+$0xCE00];
	v50 =	vmul.f32 v54, v31;
	v40 =	vadd.f32 v49, v40;
	[tilespmem:s20+$0x1210] =	vst v42  }
0x106: {  	v36 =	vmul.f32 v36, v33;
	v42 =	vld [tilespmem:s20+$0xCA70];
	v47 =	vmul.f32 v47, v31;
	v39 =	vadd.f32 v48, v39;
	[tilespmem:s20+$0x1200] =	vst v41  }
0x107: {  	v35 =	vmul.f32 v35, v33;
	v41 =	vld [tilespmem:s20+$0xCA60];
	v46 =	vmul.f32 v46, v31;
	v38 =	vadd.f32 v50, v38;
	[tilespmem:s20+$0xE70] =	vst v40  }
0x108: {  	v34 =	vmul.f32 v34, v33;
	v40 =	vld [tilespmem:s20+$0xCA50];
	v45 =	vmul.f32 v45, v31;
	v37 =	vadd.f32 v47, v37;
	[tilespmem:s20+$0xE60] =	vst v39  }
0x109: {  	v32 =	vmul.f32 v32, v33;
	v39 =	vld [tilespmem:s20+$0xCA40];
	v44 =	vmul.f32 v44, v31;
	v36 =	vadd.f32 v46, v36;
	[tilespmem:s20+$0xE50] =	vst v38  }
0x10a: {  	v30 =	vmul.f32 v30, v33;
	v38 =	vld [tilespmem:s20+$0xCA30];
	v43 =	vmul.f32 v43, v31;
	v35 =	vadd.f32 v45, v35;
	[tilespmem:s20+$0xE40] =	vst v37  }
0x10b: {  	v29 =	vmul.f32 v29, v33;
	v37 =	vld [tilespmem:s20+$0xCA20];
	v42 =	vmul.f32 v42, v31;
	v34 =	vadd.f32 v44, v34;
	[tilespmem:s20+$0xE30] =	vst v36  }
0x10c: {  	v28 =	vmul.f32 v28, v33;
	v36 =	vld [tilespmem:s20+$0xCA10];
	v41 =	vmul.f32 v41, v31;
	v32 =	vadd.f32 v43, v32;
	[tilespmem:s20+$0xE20] =	vst v35  }
0x10d: {  	v27 =	vmul.f32 v27, v33;
	v35 =	vld [tilespmem:s20+$0xCA00];
	v40 =	vmul.f32 v40, v31;
	v30 =	vadd.f32 v42, v30;
	[tilespmem:s20+$0xE10] =	vst v34  }
0x10e: {  	v26 =	vmul.f32 v26, v33;
	v34 =	vld [tilespmem:s20+$0xC670];
	v39 =	vmul.f32 v39, v31;
	v29 =	vadd.f32 v41, v29;
	[tilespmem:s20+$0xE00] =	vst v32  }
0x10f: {  	v25 =	vmul.f32 v25, v33;
	v32 =	vld [tilespmem:s20+$0xC660];
	v38 =	vmul.f32 v38, v31;
	v28 =	vadd.f32 v40, v28;
	[tilespmem:s20+$0xA70] =	vst v30  }
0x110: {  	v24 =	vmul.f32 v24, v33;
	v30 =	vld [tilespmem:s20+$0xC650];
	v37 =	vmul.f32 v37, v31;
	v27 =	vadd.f32 v39, v27;
	[tilespmem:s20+$0xA60] =	vst v29  }
0x111: {  	v23 =	vmul.f32 v23, v33;
	v29 =	vld [tilespmem:s20+$0xC640];
	v36 =	vmul.f32 v36, v31;
	v26 =	vadd.f32 v38, v26;
	[tilespmem:s20+$0xA50] =	vst v28  }
0x112: {  	v22 =	vmul.f32 v22, v33;
	v28 =	vld [tilespmem:s20+$0xC630];
	v35 =	vmul.f32 v35, v31;
	v25 =	vadd.f32 v37, v25;
	[tilespmem:s20+$0xA40] =	vst v27  }
0x113: {  	v21 =	vmul.f32 v21, v33;
	v27 =	vld [tilespmem:s20+$0xC620];
	v34 =	vmul.f32 v34, v31;
	v24 =	vadd.f32 v36, v24;
	[tilespmem:s20+$0xA30] =	vst v26  }
0x114: {  	v20 =	vmul.f32 v20, v33;
	v26 =	vld [tilespmem:s20+$0xC610];
	v32 =	vmul.f32 v32, v31;
	v23 =	vadd.f32 v35, v23;
	[tilespmem:s20+$0xA20] =	vst v25  }
0x115: {  	v19 =	vmul.f32 v19, v33;
	v25 =	vld [tilespmem:s20+$0xC600];
	v30 =	vmul.f32 v30, v31;
	v22 =	vadd.f32 v34, v22;
	[tilespmem:s20+$0xA10] =	vst v24  }
0x116: {  	v18 =	vmul.f32 v18, v33;
	v24 =	vld [tilespmem:s20+$0xC270];
	v29 =	vmul.f32 v29, v31;
	v21 =	vadd.f32 v32, v21;
	[tilespmem:s20+$0xA00] =	vst v23  }
0x117: {  	v17 =	vmul.f32 v17, v33;
	v23 =	vld [tilespmem:s20+$0xC260];
	v28 =	vmul.f32 v28, v31;
	v20 =	vadd.f32 v30, v20;
	[tilespmem:s20+$0x670] =	vst v22  }
0x118: {  	v16 =	vmul.f32 v16, v33;
	v22 =	vmul.f32 v27, v31;
	v19 =	vadd.f32 v29, v19;
	[tilespmem:s20+$0x660] =	vst v21;
	v21 =	vld [tilespmem:s20+$0xD640]  }
0x119: {  	v15 =	vmul.f32 v15, v33;
	v26 =	vmul.f32 v26, v31;
	v18 =	vadd.f32 v28, v18;
	[tilespmem:s20+$0x650] =	vst v20;
	v20 =	vld [tilespmem:s20+$0xD650]  }
0x11a: {  	v14 =	vmul.f32 v14, v33;
	v25 =	vmul.f32 v25, v31;
	v17 =	vadd.f32 v22, v17;
	[tilespmem:s20+$0x640] =	vst v19;
	v19 =	vld [tilespmem:s20+$0xD660]  }
0x11b: {  	v13 =	vmul.f32 v13, v33;
	v22 =	vmul.f32 v24, v31;
	v16 =	vadd.f32 v26, v16;
	[tilespmem:s20+$0x630] =	vst v18;
	v18 =	vld [tilespmem:s20+$0xD670]  }
0x11c: {  	v12 =	vmul.f32 v12, v33;
	v23 =	vmul.f32 v23, v31;
	v15 =	vadd.f32 v25, v15;
	[tilespmem:s20+$0x620] =	vst v17;
	v17 =	vld [tilespmem:s20+$0x1640]  }
0x11d: {  	v10 =	vmul.f32 v10, v33;
	v11 =	vmul.f32 v11, v31;
	v14 =	vadd.f32 v22, v14;
	[tilespmem:s20+$0x610] =	vst v16;
	v16 =	vld [tilespmem:s20+$0x1650]  }
0x11e: {  	v8 =	vmul.f32 v8, v33;
	v9 =	vmul.f32 v9, v31;
	v13 =	vadd.f32 v23, v13;
	[tilespmem:s20+$0x600] =	vst v15;
	v15 =	vld [tilespmem:s20+$0x1660]  }
0x11f: {  	v6 =	vmul.f32 v6, v33;
	v7 =	vmul.f32 v7, v31;
	v11 =	vadd.f32 v11, v12;
	[tilespmem:s20+$0x270] =	vst v14;
	v12 =	vld [tilespmem:s20+$0x1670]  }
0x120: {  	v4 =	vmul.f32 v4, v33;
	v5 =	vmul.f32 v5, v31;
	v9 =	vadd.f32 v9, v10;
	v14 =	vld [tilespmem:s20+$0x200];
	[tilespmem:s20+$0x260] =	vst v13  }
0x121: {  	v3 =	vmul.f32 v3, v31;
	v7 =	vadd.f32 v7, v8;
	v10 =	vld [tilespmem:s20+$0xC200];
	[tilespmem:s20+$0x250] =	vst v11;
	v8 =	vmul.f32 v17, v33  }
0x122: {  	s23 =	sshrl.u32 s21, $0x3;
	v5 =	vadd.f32 v5, v6;
	v6 =	vmul.f32 v21, v31;
	[tilespmem:s20+$0x240] =	vst v9;
	v9 =	vmul.f32 v16, v33  }
0x123: {  	s22 =	sadd.s32 $0x80, s22;
	s23 =	smul.u32 $0x1800, s23;
	v3 =	vadd.f32 v3, v4;
	v4 =	vmul.f32 v20, v31;
	[tilespmem:s20+$0x230] =	vst v7;
	v7 =	vmul.f32 v15, v33  }
0x124: {  	s24 =	sand.u32 $0x380, s22;
	[tilespmem:s20+$0x220] =	vst v5;
	v5 =	vadd.f32 v6, v8;
	v6 =	vmul.f32 v19, v31;
	v8 =	vmul.f32 v12, v33  }
0x125: {  	s23 =	sor.u32 s24, s23;
	v9 =	vadd.f32 v4, v9;
	v12 =	vmul.f32 v18, v31;
	v11 =	vmul.f32 v14, v33;
	[tilespmem:s20+$0x210] =	vst v3  }
0x126: {  	v4 =	vld [tilespmem:s23+$0x210];
	v10 =	vmul.f32 v10, v31;
	[tilespmem:s20+$0x1640] =	vst v5;
	v5 =	vadd.f32 v6, v7  }
0x127: {  	v7 =	vadd.f32 v12, v8;
	v3 =	vld [tilespmem:s23+$0xC210];
	[tilespmem:s20+$0x1650] =	vst v9  }
0x128: {  	v6 =	vld [tilespmem:s23+$0x220];
	v9 =	vadd.f32 v10, v11;
	[tilespmem:s20+$0x1660] =	vst v5  }
0x129: {  	v5 =	vld [tilespmem:s23+$0xC220];
	[tilespmem:s20+$0x1670] =	vst v7  }
0x12a: {  	v8 =	vld [tilespmem:s23+$0x230];
	[tilespmem:s20+$0x200] =	vst v9;
	s20 =	smov.u32 s23  }
0x12b: {  	v7 =	vld [tilespmem:s20+$0xC230]  }
0x12c: {  	v10 =	vld [tilespmem:s20+$0x240]  }
0x12d: {  	v9 =	vld [tilespmem:s20+$0xC240]  }
0x12e: {  	v12 =	vld [tilespmem:s20+$0x250]  }
0x12f: {  	v11 =	vld [tilespmem:s20+$0xC250]  }
0x130: {  	v13 =	vld [tilespmem:s20+$0x260]  }
0x131: {  	v14 =	vld [tilespmem:s20+$0x270]  }
0x132: {  	v15 =	vld [tilespmem:s20+$0x600]  }
0x133: {  	v16 =	vld [tilespmem:s20+$0x610]  }
0x134: {  	v17 =	vld [tilespmem:s20+$0x620]  }
0x135: {  	v18 =	vld [tilespmem:s20+$0x630]  }
0x136: {  	v19 =	vld [tilespmem:s20+$0x640]  }
0x137: {  	v20 =	vld [tilespmem:s20+$0x650]  }
0x138: {  	v21 =	vld [tilespmem:s20+$0x660]  }
0x139: {  	v22 =	vld [tilespmem:s20+$0x670]  }
0x13a: {  	v23 =	vld [tilespmem:s20+$0xA00]  }
0x13b: {  	v24 =	vld [tilespmem:s20+$0xA10]  }
0x13c: {  	v25 =	vld [tilespmem:s20+$0xA20]  }
0x13d: {  	v26 =	vld [tilespmem:s20+$0xA30]  }
0x13e: {  	v27 =	vld [tilespmem:s20+$0xA40]  }
0x13f: {  	v28 =	vld [tilespmem:s20+$0xA50]  }
0x140: {  	v29 =	vld [tilespmem:s20+$0xA60]  }
0x141: {  	v30 =	vld [tilespmem:s20+$0xA70]  }
0x142: {  	v32 =	vld [tilespmem:s20+$0xE00]  }
0x143: {  	v34 =	vld [tilespmem:s20+$0xE10]  }
0x144: {  	v35 =	vld [tilespmem:s20+$0xE20]  }
0x145: {  	v36 =	vld [tilespmem:s20+$0xE30]  }
0x146: {  	v37 =	vld [tilespmem:s20+$0xE40]  }
0x147: {  	v38 =	vld [tilespmem:s20+$0xE50]  }
0x148: {  	v39 =	vld [tilespmem:s20+$0xE60]  }
0x149: {  	v40 =	vld [tilespmem:s20+$0xE70]  }
0x14a: {  	v41 =	vld [tilespmem:s20+$0x1200]  }
0x14b: {  	v42 =	vld [tilespmem:s20+$0x1210]  }
0x14c: {  	v43 =	vld [tilespmem:s20+$0x1220]  }
0x14d: {  	v44 =	vld [tilespmem:s20+$0x1230]  }
.Ltmp0:
0x14e: {  	v45 =	vld [tilespmem:s20+$0x1240];
	(pc) =	sbr.rel @p0 .LBB2_2-.Ltmp0, $4  }
0x14f: {  	v46 =	vld [tilespmem:s20+$0x1250]  }
0x150: {  	v47 =	vld [tilespmem:s20+$0x1260]  }
0x151: {  	v50 =	vmov s21;
	v48 =	vld [tilespmem:s20+$0x1600]  }
0x152: {  	s21 =	sadd.s32 $0x1, s21;
	v49 =	vld [tilespmem:s20+$0x1610]  }
0x153: {  	_ =	sdelay $0x1  }
0x154: {  	v52 =	vld [tilespmem:s20+$0xD630]  }
0x155: {  	v53 =	vld [tilespmem:s20+$0x1620]  }
0x156: {  	v31 =	vld.idx.msk [tilespmem:v50+s13+$0x0], $0xffff  }
0x157: {  	v33 =	vld.idx.msk [tilespmem:v50+s15+$0x0], $0xffff  }
0x158: {  	v61 =	vld [tilespmem:s20+$0x1630]  }
0x159: {  	v54 =	vld [tilespmem:s20+$0xD620]  }
0x15a: {  	v51 =	vld [tilespmem:s20+$0xD610]  }
0x15b: {  	v55 =	vld [tilespmem:s20+$0xD600]  }
0x15c: {  	v56 =	vld [tilespmem:s20+$0x1270]  }
0x15d: {  	v58 =	vld [tilespmem:s20+$0xD260];
	v50 =	vmul.f32 v61, v31;
	v52 =	vmul.f32 v52, v33  }
0x15e: {  	v57 =	vld [tilespmem:s20+$0xD270];
	v53 =	vmul.f32 v53, v31;
	v54 =	vmul.f32 v54, v33  }
0x15f: {  	v59 =	vld [tilespmem:s20+$0xD250];
	v49 =	vmul.f32 v49, v31;
	v51 =	vmul.f32 v51, v33  }
0x160: {  	v60 =	vld [tilespmem:s20+$0xD240];
	v48 =	vmul.f32 v48, v31;
	v62 =	vmul.f32 v55, v33;
	v50 =	vadd.f32 v52, v50  }
0x161: {  	v61 =	vld [tilespmem:s20+$0xD220];
	v63 =	vmul.f32 v56, v31;
	v47 =	vmul.f32 v47, v31;
	v53 =	vadd.f32 v54, v53  }
0x162: {  	v58 =	vmul.f32 v58, v33;
	v55 =	vld [tilespmem:s20+$0xC660];
	v12 =	vmul.f32 v12, v31;
	v49 =	vadd.f32 v51, v49;
	[tilespmem:s20+$0x1630] =	vst v50  }
0x163: {  	v56 =	vld [tilespmem:s20+$0xC650];
	v11 =	vmul.f32 v11, v33;
	v10 =	vmul.f32 v10, v31;
	v48 =	vadd.f32 v62, v48;
	[tilespmem:s20+$0x1620] =	vst v53  }
0x164: {  	v9 =	vmul.f32 v9, v33;
	v8 =	vmul.f32 v8, v31;
	v52 =	vld [tilespmem:s20+$0xD230];
	v47 =	vadd.f32 v58, v47;
	[tilespmem:s20+$0x1610] =	vst v49  }
0x165: {  	v7 =	vmul.f32 v7, v33;
	v6 =	vmul.f32 v6, v31;
	v51 =	vld [tilespmem:s20+$0xD200];
	v11 =	vadd.f32 v11, v12;
	[tilespmem:s20+$0x1600] =	vst v48  }
0x166: {  	v5 =	vmul.f32 v5, v33;
	v4 =	vmul.f32 v4, v31;
	v58 =	vld [tilespmem:s20+$0xCE20];
	v9 =	vadd.f32 v9, v10;
	[tilespmem:s20+$0x1260] =	vst v47  }
0x167: {  	v3 =	vmul.f32 v3, v33;
	v62 =	vmul.f32 v59, v33;
	v59 =	vld [tilespmem:s20+$0xCE10];
	v7 =	vadd.f32 v7, v8;
	[tilespmem:s20+$0x250] =	vst v11  }
0x168: {  	v57 =	vmul.f32 v57, v33;
	v54 =	vld [tilespmem:s20+$0xC670];
	v5 =	vadd.f32 v5, v6;
	[tilespmem:s20+$0x240] =	vst v9  }
0x169: {  	v46 =	vmul.f32 v46, v31;
	v3 =	vadd.f32 v3, v4;
	v50 =	vld [tilespmem:s20+$0xD210];
	[tilespmem:s20+$0x230] =	vst v7  }
0x16a: {  	v45 =	vmul.f32 v45, v31;
	v49 =	vld [tilespmem:s20+$0xCE70];
	v53 =	vadd.f32 v57, v63;
	v63 =	vmul.f32 v60, v33;
	[tilespmem:s20+$0x220] =	vst v5  }
0x16b: {  	v43 =	vmul.f32 v43, v31;
	v48 =	vld [tilespmem:s20+$0xCE60];
	v46 =	vadd.f32 v62, v46;
	[tilespmem:s20+$0x210] =	vst v3;
	v57 =	vmul.f32 v61, v33  }
0x16c: {  	v44 =	vmul.f32 v44, v31;
	v47 =	vld [tilespmem:s20+$0xCE40];
	[tilespmem:s20+$0x1270] =	vst v53;
	v45 =	vadd.f32 v63, v45;
	v52 =	vmul.f32 v52, v33  }
0x16d: {  	v41 =	vmul.f32 v41, v31;
	v60 =	vld [tilespmem:s20+$0xCE00];
	[tilespmem:s20+$0x1250] =	vst v46;
	v43 =	vadd.f32 v57, v43;
	v51 =	vmul.f32 v51, v33  }
0x16e: {  	v35 =	vmul.f32 v35, v31;
	v62 =	vld [tilespmem:s20+$0xCA60];
	[tilespmem:s20+$0x1240] =	vst v45;
	v45 =	vmul.f32 v58, v33;
	v44 =	vadd.f32 v52, v44  }
0x16f: {  	v42 =	vmul.f32 v42, v31;
	v53 =	vld [tilespmem:s20+$0xCE50];
	v50 =	vmul.f32 v50, v33;
	[tilespmem:s20+$0x1220] =	vst v43;
	v41 =	vadd.f32 v51, v41  }
0x170: {  	v40 =	vmul.f32 v40, v31;
	v46 =	vld [tilespmem:s20+$0xCE30];
	v49 =	vmul.f32 v49, v33;
	v35 =	vadd.f32 v45, v35;
	[tilespmem:s20+$0x1230] =	vst v44  }
0x171: {  	v39 =	vmul.f32 v39, v31;
	v61 =	vld [tilespmem:s20+$0xCA70];
	v48 =	vmul.f32 v48, v33;
	v42 =	vadd.f32 v50, v42;
	[tilespmem:s20+$0x1200] =	vst v41  }
0x172: {  	v37 =	vmul.f32 v37, v31;
	v57 =	vld [tilespmem:s20+$0xC640];
	v47 =	vmul.f32 v47, v33;
	v40 =	vadd.f32 v49, v40;
	[tilespmem:s20+$0xE20] =	vst v35  }
0x173: {  	v32 =	vmul.f32 v32, v31;
	v58 =	vld [tilespmem:s20+$0xC630];
	v43 =	vmul.f32 v60, v33;
	v39 =	vadd.f32 v48, v39;
	[tilespmem:s20+$0x1210] =	vst v42  }
0x174: {  	v38 =	vmul.f32 v38, v31;
	v51 =	vld [tilespmem:s20+$0xCA20];
	v63 =	vmul.f32 v53, v33;
	v37 =	vadd.f32 v47, v37;
	[tilespmem:s20+$0xE70] =	vst v40  }
0x175: {  	v36 =	vmul.f32 v36, v31;
	v52 =	vld [tilespmem:s20+$0xCA10];
	v46 =	vmul.f32 v46, v33;
	v32 =	vadd.f32 v43, v32;
	[tilespmem:s20+$0xE60] =	vst v39  }
0x176: {  	v34 =	vmul.f32 v34, v31;
	v60 =	vld [tilespmem:s20+$0xC610];
	v44 =	vmul.f32 v59, v33;
	v38 =	vadd.f32 v63, v38;
	[tilespmem:s20+$0xE40] =	vst v37  }
0x177: {  	v29 =	vmul.f32 v29, v31;
	v45 =	vld [tilespmem:s20+$0x1640];
	v41 =	vmul.f32 v62, v33;
	v36 =	vadd.f32 v46, v36;
	[tilespmem:s20+$0xE00] =	vst v32  }
0x178: {  	v21 =	vmul.f32 v21, v31;
	v48 =	vld [tilespmem:s20+$0xCA50];
	v62 =	vmul.f32 v55, v33;
	v34 =	vadd.f32 v44, v34;
	[tilespmem:s20+$0xE50] =	vst v38  }
0x179: {  	v30 =	vmul.f32 v30, v31;
	v49 =	vld [tilespmem:s20+$0xCA40];
	v42 =	vmul.f32 v61, v33;
	v29 =	vadd.f32 v41, v29;
	[tilespmem:s20+$0xE30] =	vst v36  }
0x17a: {  	v25 =	vmul.f32 v25, v31;
	v50 =	vld [tilespmem:s20+$0xCA30];
	v21 =	vadd.f32 v62, v21;
	v37 =	vmul.f32 v51, v33;
	[tilespmem:s20+$0xE10] =	vst v34  }
0x17b: {  	v16 =	vmul.f32 v16, v31;
	v53 =	vld [tilespmem:s20+$0xCA00];
	v41 =	vmul.f32 v60, v33;
	v30 =	vadd.f32 v42, v30;
	[tilespmem:s20+$0xA60] =	vst v29  }
0x17c: {  	v24 =	vmul.f32 v24, v31;
	v59 =	vld [tilespmem:s20+$0xC620];
	v36 =	vmul.f32 v52, v33;
	[tilespmem:s20+$0x660] =	vst v21;
	v25 =	vadd.f32 v37, v25  }
0x17d: {  	v22 =	vmul.f32 v22, v31;
	v43 =	vld [tilespmem:s20+$0xD670];
	v34 =	vmul.f32 v54, v33;
	v16 =	vadd.f32 v41, v16;
	[tilespmem:s20+$0xA70] =	vst v30  }
0x17e: {  	v28 =	vmul.f32 v28, v31;
	v61 =	vld [tilespmem:s20+$0xC600];
	v40 =	vmul.f32 v48, v33;
	v24 =	vadd.f32 v36, v24;
	[tilespmem:s20+$0xA20] =	vst v25  }
0x17f: {  	v27 =	vmul.f32 v27, v31;
	v63 =	vld [tilespmem:s20+$0xC270];
	v39 =	vmul.f32 v49, v33;
	v22 =	vadd.f32 v34, v22;
	[tilespmem:s20+$0x610] =	vst v16  }
0x180: {  	v26 =	vmul.f32 v26, v31;
	v46 =	vld [tilespmem:s20+$0x1650];
	v38 =	vmul.f32 v50, v33;
	v28 =	vadd.f32 v40, v28;
	[tilespmem:s20+$0xA10] =	vst v24  }
0x181: {  	v23 =	vmul.f32 v23, v31;
	v51 =	vld [tilespmem:s20+$0x200];
	v35 =	vmul.f32 v53, v33;
	v27 =	vadd.f32 v39, v27;
	[tilespmem:s20+$0x670] =	vst v22  }
0x182: {  	v18 =	vmul.f32 v18, v31;
	v37 =	vmul.f32 v58, v33;
	v48 =	vld [tilespmem:s20+$0x1660];
	v26 =	vadd.f32 v38, v26;
	[tilespmem:s20+$0xA50] =	vst v28  }
0x183: {  	v20 =	vmul.f32 v20, v31;
	v50 =	vld [tilespmem:s20+$0xC200];
	v30 =	vmul.f32 v56, v33;
	v23 =	vadd.f32 v35, v23;
	[tilespmem:s20+$0xA40] =	vst v27  }
0x184: {  	v19 =	vmul.f32 v19, v31;
	v34 =	vld [tilespmem:s20+$0xC260];
	v35 =	vmul.f32 v57, v33;
	v18 =	vadd.f32 v37, v18;
	[tilespmem:s20+$0xA30] =	vst v26  }
0x185: {  	v17 =	vmul.f32 v17, v31;
	v36 =	vld [tilespmem:s20+$0xD640];
	v39 =	vmul.f32 v59, v33;
	v20 =	vadd.f32 v30, v20;
	[tilespmem:s20+$0xA00] =	vst v23  }
0x186: {  	v15 =	vmul.f32 v15, v31;
	v38 =	vld [tilespmem:s20+$0xD650];
	v42 =	vmul.f32 v61, v33;
	v19 =	vadd.f32 v35, v19;
	[tilespmem:s20+$0x630] =	vst v18  }
0x187: {  	v14 =	vmul.f32 v14, v31;
	v40 =	vld [tilespmem:s20+$0xD660];
	v44 =	vmul.f32 v63, v33;
	v17 =	vadd.f32 v39, v17;
	[tilespmem:s20+$0x650] =	vst v20  }
0x188: {  	v49 =	vld [tilespmem:s20+$0x1670];
	v61 =	vmul.f32 v51, v31;
	v15 =	vadd.f32 v42, v15;
	v10 =	vmul.f32 v50, v33;
	[tilespmem:s20+$0x640] =	vst v19  }
0x189: {  	v13 =	vmul.f32 v13, v31;
	v14 =	vadd.f32 v44, v14;
	[tilespmem:s20+$0x620] =	vst v17;
	v47 =	vmul.f32 v34, v33  }
0x18a: {  	v52 =	vmul.f32 v45, v31;
	[tilespmem:s20+$0x600] =	vst v15;
	v53 =	vmul.f32 v36, v33;
	v63 =	vadd.f32 v10, v61  }
0x18b: {  	v54 =	vmul.f32 v46, v31;
	[tilespmem:s20+$0x270] =	vst v14;
	v55 =	vmul.f32 v38, v33;
	v13 =	vadd.f32 v47, v13  }
0x18c: {  	v56 =	vmul.f32 v48, v31;
	v58 =	vmul.f32 v40, v33;
	v57 =	vadd.f32 v53, v52;
	[tilespmem:s20+$0x200] =	vst v63  }
0x18d: {  	v60 =	vmul.f32 v43, v33;
	v59 =	vmul.f32 v49, v31;
	v3 =	vadd.f32 v55, v54;
	[tilespmem:s20+$0x260] =	vst v13  }
0x18e: {  	v62 =	vadd.f32 v58, v56;
	[tilespmem:s20+$0x1640] =	vst v57  }
0x18f: {  	s19 =	sadd.s32 $0x1, s19;
	[tilespmem:s20+$0x1650] =	vst v3;
	v3 =	vadd.f32 v60, v59  }
0x190: {  	p0 =	sne.s32 s19, s11;
	[tilespmem:s20+$0x1660] =	vst v62  }
.Ltmp1:
0x191: {  	[tilespmem:s20+$0x1670] =	vst v3;
	(pc) =	sbr.rel @p0 .LBB2_1-.Ltmp1, $4  }
0x192: {  	[hbm4b:s10+s2] =	stream.linear.scatter [tilespmem:s17], [sflag:$0x3], $0xC000, $0x38;
	[tilespmem:$0x18200] =	vst v63  }
0x193: {  	_ =	swait.ge [sflag:s14], $0xC000  }
0x194: {  	[sflag:s14] =	ssyncset.done $0x0  }
0x195: {  	[sflag:s14] =	ssyncadd.s32 $0xFFFF4000  }
0x196: {  	_ =	sfence.sel $0x180000  }
0x197: {  	[bflag:$0x0] =	sbarrier.arrive $0xFFFF  }
0x198: {  	_ =	strace $0x9000004A  }
0x199: {  	s0 =	stileid.u32;
	[bflag:$0x2] =	sbarrier.arrive $0xFFFF  }
0x19a: {  	p0 =	sne.s32 s0, $0x0;
	s0 =	rddreg [dreg:$0x2]  }
0x19b: {  	s0 =	sadd.s32 @!p0 $0x100000, s0  }
0x19c: {  	[sflag:s0] =	ssyncadd.tile.s32 @!p0 $0x1;
	_ =	shalt  }
.Lfunc_end2:
_tile_overlayer_lowered:
.L_overlay_start_2:
0x19d: {  	(tag) =	ssettag $0x2  }
0x19e: {  	s0 =	rddreg [dreg:$0x0];
	s2 =	stileid.u32  }
0x19f: {  	s1 =	rddreg [dreg:$0x1];
	p0 =	sne.s32 s2, $0x0  }
0x1a0: {  	s3 =	rddreg [dreg:$0x2];
	[bflag:$0x3] =	sbarrier.arrive $0xFFFF;
	s2 =	simm.s32 @!p0 $0x1C03  }
0x1a1: {  	[timem:s3], [sflag:s2] =	dma.local @!p0 [hbm:s0], s1  }
0x1a2: {  	s0 =	simm.s32 @!p0 $0x3  }
0x1a3: {  	_ =	swait.ge @!p0 [sflag:s0], s1  }
0x1a4: {  	s1 =	ssub.s32 @!p0 $0x0, s1;
	[sflag:s0] =	ssyncset.done @!p0 $0x0  }
0x1a5: {  	[sflag:s0] =	ssyncadd.s32 @!p0 s1  }
0x1a6: {  	[bflag:$0x3] =	sbarrier.arrive $0xFFFF  }
0x1a7: {  	_ =	shalt  }

</sc_bundles>
